<compile_context>
chip_gen: v7x
topology: tpu7x:2x2x1
jax: 0.10.2.dev20260603
libtpu: 0.0.44.dev20260713+nightly
codegen_flags: <defaults>
</compile_context>

<pallas_src>
import jax
import jax.numpy as jnp
from jax import lax
from jax.experimental import pallas as pl
from jax.experimental.pallas import tpu as pltpu
from jax.experimental.pallas import tpu_sc as plsc

VOCAB = 1000000
DIM = 64
SEQ = 200
BATCH = 4096

NC, NS = 2, 16
NW = NC * NS
BPW = BATCH // NW
NB = 4
NT = 2


def _sc_kernel(xt_hbm, tab_hbm, pos_hbm, out_hbm, pos_v, idx_v, rows_v,
               tile_v, gsem, osem):
    wid = lax.axis_index("s") * NC + lax.axis_index("c")

    pltpu.sync_copy(pos_hbm, pos_v)
    pltpu.sync_copy(xt_hbm.at[wid], idx_v)

    iota16 = lax.iota(jnp.int32, 16)
    db_idx = [iota16 // 8 + 2 * dg for dg in range(4)]
    di_idx = [lax.rem(iota16, 8)] * 4

    def gather(s, b):
        pltpu.async_copy(tab_hbm.at[idx_v.at[s]], rows_v.at[b], gsem.at[b])

    gather(0, 0)
    gather(1, 1)
    gather(2, 2)

    @pl.loop(0, SEQ)
    def s_loop(s):
        b = lax.rem(s, NB)
        tb = lax.rem(s, NT)

        @pl.when(s + 3 < SEQ)
        def _():
            gather(s + 3, lax.rem(s + 3, NB))

        pltpu.make_async_copy(tab_hbm.at[idx_v.at[s]], rows_v.at[b],
                              gsem.at[b]).wait()

        @pl.when(s >= NT)
        def _():
            pltpu.make_async_copy(tile_v.at[tb, :, :, pl.ds(0, BPW)],
                                  out_hbm.at[s - NT, :, wid],
                                  osem.at[tb]).wait()

        rows = rows_v.at[b]
        tile = tile_v.at[tb]
        pos16 = [pos_v[s, pl.ds(16 * dg, 16)] for dg in range(4)]

        @plsc.parallel_loop(0, BPW, unroll=4)
        def t_loop(t):
            colt = jnp.full((16,), t, jnp.int32)
            for dg in range(4):
                v = rows[t, pl.ds(16 * dg, 16)] + pos16[dg]
                plsc.store_scatter(tile, [db_idx[dg], di_idx[dg], colt], v)

        pltpu.async_copy(tile_v.at[tb, :, :, pl.ds(0, BPW)],
                         out_hbm.at[s, :, wid], osem.at[tb])

    for k in range(NT):
        s = SEQ - NT + k
        pltpu.make_async_copy(tile_v.at[s % NT, :, :, pl.ds(0, BPW)],
                              out_hbm.at[s, :, wid],
                              osem.at[s % NT]).wait()


@jax.jit
def kernel(x, token_emb, pos_emb):
    xt = x.T.astype(jnp.int32).reshape(SEQ, NW, BPW).transpose(1, 0, 2)
    pos = pos_emb[0, :SEQ, :]

    mesh = plsc.VectorSubcoreMesh(core_axis_name="c", subcore_axis_name="s")
    run = pl.kernel(
        _sc_kernel,
        out_type=jax.ShapeDtypeStruct((SEQ, DIM // 8, NW, 8, BPW), jnp.float32),
        mesh=mesh,
        scratch_types=[
            pltpu.VMEM((SEQ, DIM), jnp.float32),
            pltpu.VMEM((SEQ, BPW), jnp.int32),
            pltpu.VMEM((NB, BPW, DIM), jnp.float32),
            pltpu.VMEM((NT, DIM // 8, 8, 133), jnp.float32),
            pltpu.SemaphoreType.DMA((NB,)),
            pltpu.SemaphoreType.DMA((NT,)),
        ],
        compiler_params=pltpu.CompilerParams(
            use_tc_tiling_on_sc=False,
            needs_layout_passes=False,
            disable_bounds_checks=True,
        ),
    )
    out5 = run(xt, token_emb, pos)
    return jnp.transpose(out5, (2, 4, 0, 1, 3)).reshape(BATCH, SEQ, DIM)

# --- scband reference (transcript-rebuilt; emitter-appended) ---
"""Pipeline reference for scband-text-adapter-21809843929607 (READ-ONLY COPY).

The authoritative reference and input builder live on the scoring server;
editing this copy changes nothing except your own understanding.
"""

import jax, jax.numpy as jnp
import numpy as np

VOCAB = 1000000
DIM = 64
MAX_SEQ = 512
BATCH = 4096
SEQ = 200

def setup_inputs(seed: int = 0) -> dict:
    key = jax.random.key(seed)
    k_idx, k_tab, k_pos = jax.random.split(key, 3)
    x = jax.random.randint(k_idx, (BATCH, SEQ), 0, VOCAB, dtype=jnp.int64 if jax.config.jax_enable_x64 else jnp.int32)
    token_emb = jax.random.normal(k_tab, (VOCAB, DIM), dtype=jnp.float32)
    pos_emb = jax.random.normal(k_pos, (1, MAX_SEQ, DIM), dtype=jnp.float32) * 0.02
    return {"x": x, "token_emb": token_emb, "pos_emb": pos_emb}

def reference(x, token_emb, pos_emb):
    seq_len = x.shape[1]
    # embedding lookup (gather) + learnable positional embedding slice
    tok = jnp.take(token_emb, x, axis=0)  # (B, S, D)
    return tok + pos_emb[:, :seq_len, :]

if __name__ == "__main__":
    import jax
    _d = setup_inputs()
    print(jax.jit(kernel)(*tuple(_d.values())))

</pallas_src>

<mosaic_0001>
#map = affine_map<(d0, d1) -> (0, 0, 0)>
#map1 = affine_map<(d0, d1) -> (0, 0)>
#map2 = affine_map<(d0, d1) -> (0, 0, 0, 0, 0)>
module attributes {stable_mosaic.version = 14 : i64} {
  func.func @_sc_kernel(%arg0: i32, %arg1: i32, %arg2: memref<32x200x128xi32, #tpu.memory_space<hbm>>, %arg3: memref<1000000x64xf32, #tpu.memory_space<hbm>>, %arg4: memref<200x64xf32, #tpu.memory_space<hbm>>, %arg5: memref<200x8x32x8x128xf32, #tpu.memory_space<hbm>>, %arg6: memref<200x64xf32, #tpu.memory_space<vmem>>, %arg7: memref<200x128xi32, #tpu.memory_space<vmem>>, %arg8: memref<4x128x64xf32, #tpu.memory_space<vmem>>, %arg9: memref<2x8x8x133xf32, #tpu.memory_space<vmem>>, %arg10: memref<4x!tpu.dma_semaphore, #tpu.memory_space<semaphore_mem>>, %arg11: memref<2x!tpu.dma_semaphore, #tpu.memory_space<semaphore_mem>>) attributes {dimension_semantics = [#tpu.dimension_semantics<core_parallel>, #tpu.dimension_semantics<subcore_parallel>], iteration_bounds = array<i64: 2, 16>, scalar_prefetch = 0 : i64, scratch_operands = 6 : i64, tpu.core_type = #tpu.core_type<sc_vector_subcore>, window_params = [{transform_indices = #map}, {transform_indices = #map1}, {transform_indices = #map1}, {transform_indices = #map2}]} {
    %mul3A = arith.constant 2 : i32
    %mul3A_0 = arith.muli %arg1, %mul3A : i32
    %add3A = arith.addi %mul3A_0, %arg0 : i32
    "tpu.region"() ({
      %run_scoped3A = tpu.sem_alloc : memref<!tpu.dma_semaphore, #tpu.memory_space<semaphore_mem>>
      tpu.enqueue_dma source(%arg4 : memref<200x64xf32, #tpu.memory_space<hbm>>) target(%arg6 : memref<200x64xf32, #tpu.memory_space<vmem>>) target_semaphore(%run_scoped3A : memref<!tpu.dma_semaphore, #tpu.memory_space<semaphore_mem>>)
      tpu.wait_dma2 semaphore(%run_scoped3A : memref<!tpu.dma_semaphore, #tpu.memory_space<semaphore_mem>>) src(%arg4 : memref<200x64xf32, #tpu.memory_space<hbm>>) dst(%arg6 : memref<200x64xf32, #tpu.memory_space<vmem>>)
      tpu.yield
    }) : () -> ()
    "tpu.region"() ({
      %run_scoped3A = tpu.sem_alloc : memref<!tpu.dma_semaphore, #tpu.memory_space<semaphore_mem>>
      %dma_start3A_229 = arith.constant 0 : i32
      %dma_start3A_230 = arith.constant 0 : i32
      %dma_start3A_231 = tpu.memref_slice %arg2[%add3A, %dma_start3A_229, %dma_start3A_230] : memref<32x200x128xi32, #tpu.memory_space<hbm>> -> memref<1x200x128xi32, #tpu.memory_space<hbm>>
      %dma_start3A_232 = tpu.memref_squeeze %dma_start3A_231 : memref<1x200x128xi32, #tpu.memory_space<hbm>> -> memref<200x128xi32, #tpu.memory_space<hbm>>
      %dma_start3A_233 = arith.constant 0 : i32
      %dma_start3A_234 = arith.constant 0 : i32
      %dma_start3A_235 = tpu.memref_slice %arg2[%add3A, %dma_start3A_233, %dma_start3A_234] : memref<32x200x128xi32, #tpu.memory_space<hbm>> -> memref<1x200x128xi32, #tpu.memory_space<hbm>>
      %dma_start3A_236 = tpu.memref_squeeze %dma_start3A_235 : memref<1x200x128xi32, #tpu.memory_space<hbm>> -> memref<200x128xi32, #tpu.memory_space<hbm>>
      tpu.enqueue_dma source(%dma_start3A_236 : memref<200x128xi32, #tpu.memory_space<hbm>>) target(%arg7 : memref<200x128xi32, #tpu.memory_space<vmem>>) target_semaphore(%run_scoped3A : memref<!tpu.dma_semaphore, #tpu.memory_space<semaphore_mem>>)
      %dma_wait3A_237 = arith.constant 0 : i32
      %dma_wait3A_238 = arith.constant 0 : i32
      %dma_wait3A_239 = tpu.memref_slice %arg2[%add3A, %dma_wait3A_237, %dma_wait3A_238] : memref<32x200x128xi32, #tpu.memory_space<hbm>> -> memref<1x200x128xi32, #tpu.memory_space<hbm>>
      %dma_wait3A_240 = tpu.memref_squeeze %dma_wait3A_239 : memref<1x200x128xi32, #tpu.memory_space<hbm>> -> memref<200x128xi32, #tpu.memory_space<hbm>>
      %dma_wait3A_241 = arith.constant 0 : i32
      %dma_wait3A_242 = arith.constant 0 : i32
      %dma_wait3A_243 = tpu.memref_slice %arg2[%add3A, %dma_wait3A_241, %dma_wait3A_242] : memref<32x200x128xi32, #tpu.memory_space<hbm>> -> memref<1x200x128xi32, #tpu.memory_space<hbm>>
      %dma_wait3A_244 = tpu.memref_squeeze %dma_wait3A_243 : memref<1x200x128xi32, #tpu.memory_space<hbm>> -> memref<200x128xi32, #tpu.memory_space<hbm>>
      tpu.wait_dma2 semaphore(%run_scoped3A : memref<!tpu.dma_semaphore, #tpu.memory_space<semaphore_mem>>) src(%dma_wait3A_244 : memref<200x128xi32, #tpu.memory_space<hbm>>) dst(%arg7 : memref<200x128xi32, #tpu.memory_space<vmem>>)
      tpu.yield
    }) : () -> ()
    %iota3A = tpu.iota {dimensions = array<i32: 0>} : vector<16xi32>
    %jit3A = arith.constant 8 : i32
    %div3A = vector.broadcast %jit3A : i32 to vector<16xi32>
    %div3A_1 = arith.divsi %iota3A, %div3A : vector<16xi32>
    %sign3A = arith.constant 0 : i32
    %sign3A_2 = vector.broadcast %sign3A : i32 to vector<16xi32>
    %sign3A_3 = arith.cmpi sgt, %iota3A, %sign3A_2 : vector<16xi32>
    %sign3A_4 = arith.extui %sign3A_3 : vector<16xi1> to vector<16xi32>
    %sign3A_5 = arith.constant 0 : i32
    %sign3A_6 = vector.broadcast %sign3A_5 : i32 to vector<16xi32>
    %sign3A_7 = arith.cmpi slt, %iota3A, %sign3A_6 : vector<16xi32>
    %sign3A_8 = arith.extui %sign3A_7 : vector<16xi1> to vector<16xi32>
    %sign3A_9 = arith.subi %sign3A_4, %sign3A_8 : vector<16xi32>
    %sign3A_10 = arith.constant 0 : i32
    %sign3A_11 = arith.cmpi sgt, %jit3A, %sign3A_10 : i32
    %sign3A_12 = arith.extui %sign3A_11 : i1 to i32
    %sign3A_13 = arith.constant 0 : i32
    %sign3A_14 = arith.cmpi slt, %jit3A, %sign3A_13 : i32
    %sign3A_15 = arith.extui %sign3A_14 : i1 to i32
    %sign3A_16 = arith.subi %sign3A_12, %sign3A_15 : i32
    %ne3A = vector.broadcast %sign3A_16 : i32 to vector<16xi32>
    %ne3A_17 = arith.cmpi ne, %sign3A_9, %ne3A : vector<16xi32>
    %rem3A = vector.broadcast %jit3A : i32 to vector<16xi32>
    %rem3A_18 = arith.remsi %iota3A, %rem3A : vector<16xi32>
    %ne3A_19 = arith.constant 0 : i32
    %ne3A_20 = vector.broadcast %ne3A_19 : i32 to vector<16xi32>
    %ne3A_21 = arith.cmpi ne, %rem3A_18, %ne3A_20 : vector<16xi32>
    %and3A = arith.andi %ne3A_17, %ne3A_21 : vector<16xi1>
    %sub3A = arith.constant 1 : i32
    %sub3A_22 = vector.broadcast %sub3A : i32 to vector<16xi32>
    %sub3A_23 = arith.subi %div3A_1, %sub3A_22 : vector<16xi32>
    %select_n3A = arith.select %and3A, %sub3A_23, %div3A_1 : vector<16xi1>, vector<16xi32>
    %add3A_24 = arith.constant 0 : i32
    %add3A_25 = vector.broadcast %add3A_24 : i32 to vector<16xi32>
    %add3A_26 = arith.addi %select_n3A, %add3A_25 : vector<16xi32>
    %jit3A_27 = arith.constant 8 : i32
    %div3A_28 = vector.broadcast %jit3A_27 : i32 to vector<16xi32>
    %div3A_29 = arith.divsi %iota3A, %div3A_28 : vector<16xi32>
    %sign3A_30 = arith.constant 0 : i32
    %sign3A_31 = vector.broadcast %sign3A_30 : i32 to vector<16xi32>
    %sign3A_32 = arith.cmpi sgt, %iota3A, %sign3A_31 : vector<16xi32>
    %sign3A_33 = arith.extui %sign3A_32 : vector<16xi1> to vector<16xi32>
    %sign3A_34 = arith.constant 0 : i32
    %sign3A_35 = vector.broadcast %sign3A_34 : i32 to vector<16xi32>
    %sign3A_36 = arith.cmpi slt, %iota3A, %sign3A_35 : vector<16xi32>
    %sign3A_37 = arith.extui %sign3A_36 : vector<16xi1> to vector<16xi32>
    %sign3A_38 = arith.subi %sign3A_33, %sign3A_37 : vector<16xi32>
    %sign3A_39 = arith.constant 0 : i32
    %sign3A_40 = arith.cmpi sgt, %jit3A_27, %sign3A_39 : i32
    %sign3A_41 = arith.extui %sign3A_40 : i1 to i32
    %sign3A_42 = arith.constant 0 : i32
    %sign3A_43 = arith.cmpi slt, %jit3A_27, %sign3A_42 : i32
    %sign3A_44 = arith.extui %sign3A_43 : i1 to i32
    %sign3A_45 = arith.subi %sign3A_41, %sign3A_44 : i32
    %ne3A_46 = vector.broadcast %sign3A_45 : i32 to vector<16xi32>
    %ne3A_47 = arith.cmpi ne, %sign3A_38, %ne3A_46 : vector<16xi32>
    %rem3A_48 = vector.broadcast %jit3A_27 : i32 to vector<16xi32>
    %rem3A_49 = arith.remsi %iota3A, %rem3A_48 : vector<16xi32>
    %ne3A_50 = arith.constant 0 : i32
    %ne3A_51 = vector.broadcast %ne3A_50 : i32 to vector<16xi32>
    %ne3A_52 = arith.cmpi ne, %rem3A_49, %ne3A_51 : vector<16xi32>
    %and3A_53 = arith.andi %ne3A_47, %ne3A_52 : vector<16xi1>
    %sub3A_54 = arith.constant 1 : i32
    %sub3A_55 = vector.broadcast %sub3A_54 : i32 to vector<16xi32>
    %sub3A_56 = arith.subi %div3A_29, %sub3A_55 : vector<16xi32>
    %select_n3A_57 = arith.select %and3A_53, %sub3A_56, %div3A_29 : vector<16xi1>, vector<16xi32>
    %add3A_58 = arith.constant 2 : i32
    %add3A_59 = vector.broadcast %add3A_58 : i32 to vector<16xi32>
    %add3A_60 = arith.addi %select_n3A_57, %add3A_59 : vector<16xi32>
    %jit3A_61 = arith.constant 8 : i32
    %div3A_62 = vector.broadcast %jit3A_61 : i32 to vector<16xi32>
    %div3A_63 = arith.divsi %iota3A, %div3A_62 : vector<16xi32>
    %sign3A_64 = arith.constant 0 : i32
    %sign3A_65 = vector.broadcast %sign3A_64 : i32 to vector<16xi32>
    %sign3A_66 = arith.cmpi sgt, %iota3A, %sign3A_65 : vector<16xi32>
    %sign3A_67 = arith.extui %sign3A_66 : vector<16xi1> to vector<16xi32>
    %sign3A_68 = arith.constant 0 : i32
    %sign3A_69 = vector.broadcast %sign3A_68 : i32 to vector<16xi32>
    %sign3A_70 = arith.cmpi slt, %iota3A, %sign3A_69 : vector<16xi32>
    %sign3A_71 = arith.extui %sign3A_70 : vector<16xi1> to vector<16xi32>
    %sign3A_72 = arith.subi %sign3A_67, %sign3A_71 : vector<16xi32>
    %sign3A_73 = arith.constant 0 : i32
    %sign3A_74 = arith.cmpi sgt, %jit3A_61, %sign3A_73 : i32
    %sign3A_75 = arith.extui %sign3A_74 : i1 to i32
    %sign3A_76 = arith.constant 0 : i32
    %sign3A_77 = arith.cmpi slt, %jit3A_61, %sign3A_76 : i32
    %sign3A_78 = arith.extui %sign3A_77 : i1 to i32
    %sign3A_79 = arith.subi %sign3A_75, %sign3A_78 : i32
    %ne3A_80 = vector.broadcast %sign3A_79 : i32 to vector<16xi32>
    %ne3A_81 = arith.cmpi ne, %sign3A_72, %ne3A_80 : vector<16xi32>
    %rem3A_82 = vector.broadcast %jit3A_61 : i32 to vector<16xi32>
    %rem3A_83 = arith.remsi %iota3A, %rem3A_82 : vector<16xi32>
    %ne3A_84 = arith.constant 0 : i32
    %ne3A_85 = vector.broadcast %ne3A_84 : i32 to vector<16xi32>
    %ne3A_86 = arith.cmpi ne, %rem3A_83, %ne3A_85 : vector<16xi32>
    %and3A_87 = arith.andi %ne3A_81, %ne3A_86 : vector<16xi1>
    %sub3A_88 = arith.constant 1 : i32
    %sub3A_89 = vector.broadcast %sub3A_88 : i32 to vector<16xi32>
    %sub3A_90 = arith.subi %div3A_63, %sub3A_89 : vector<16xi32>
    %select_n3A_91 = arith.select %and3A_87, %sub3A_90, %div3A_63 : vector<16xi1>, vector<16xi32>
    %add3A_92 = arith.constant 4 : i32
    %add3A_93 = vector.broadcast %add3A_92 : i32 to vector<16xi32>
    %add3A_94 = arith.addi %select_n3A_91, %add3A_93 : vector<16xi32>
    %jit3A_95 = arith.constant 8 : i32
    %div3A_96 = vector.broadcast %jit3A_95 : i32 to vector<16xi32>
    %div3A_97 = arith.divsi %iota3A, %div3A_96 : vector<16xi32>
    %sign3A_98 = arith.constant 0 : i32
    %sign3A_99 = vector.broadcast %sign3A_98 : i32 to vector<16xi32>
    %sign3A_100 = arith.cmpi sgt, %iota3A, %sign3A_99 : vector<16xi32>
    %sign3A_101 = arith.extui %sign3A_100 : vector<16xi1> to vector<16xi32>
    %sign3A_102 = arith.constant 0 : i32
    %sign3A_103 = vector.broadcast %sign3A_102 : i32 to vector<16xi32>
    %sign3A_104 = arith.cmpi slt, %iota3A, %sign3A_103 : vector<16xi32>
    %sign3A_105 = arith.extui %sign3A_104 : vector<16xi1> to vector<16xi32>
    %sign3A_106 = arith.subi %sign3A_101, %sign3A_105 : vector<16xi32>
    %sign3A_107 = arith.constant 0 : i32
    %sign3A_108 = arith.cmpi sgt, %jit3A_95, %sign3A_107 : i32
    %sign3A_109 = arith.extui %sign3A_108 : i1 to i32
    %sign3A_110 = arith.constant 0 : i32
    %sign3A_111 = arith.cmpi slt, %jit3A_95, %sign3A_110 : i32
    %sign3A_112 = arith.extui %sign3A_111 : i1 to i32
    %sign3A_113 = arith.subi %sign3A_109, %sign3A_112 : i32
    %ne3A_114 = vector.broadcast %sign3A_113 : i32 to vector<16xi32>
    %ne3A_115 = arith.cmpi ne, %sign3A_106, %ne3A_114 : vector<16xi32>
    %rem3A_116 = vector.broadcast %jit3A_95 : i32 to vector<16xi32>
    %rem3A_117 = arith.remsi %iota3A, %rem3A_116 : vector<16xi32>
    %ne3A_118 = arith.constant 0 : i32
    %ne3A_119 = vector.broadcast %ne3A_118 : i32 to vector<16xi32>
    %ne3A_120 = arith.cmpi ne, %rem3A_117, %ne3A_119 : vector<16xi32>
    %and3A_121 = arith.andi %ne3A_115, %ne3A_120 : vector<16xi1>
    %sub3A_122 = arith.constant 1 : i32
    %sub3A_123 = vector.broadcast %sub3A_122 : i32 to vector<16xi32>
    %sub3A_124 = arith.subi %div3A_97, %sub3A_123 : vector<16xi32>
    %select_n3A_125 = arith.select %and3A_121, %sub3A_124, %div3A_97 : vector<16xi1>, vector<16xi32>
    %add3A_126 = arith.constant 6 : i32
    %add3A_127 = vector.broadcast %add3A_126 : i32 to vector<16xi32>
    %add3A_128 = arith.addi %select_n3A_125, %add3A_127 : vector<16xi32>
    %rem3A_129 = arith.constant 8 : i32
    %rem3A_130 = vector.broadcast %rem3A_129 : i32 to vector<16xi32>
    %rem3A_131 = arith.remsi %iota3A, %rem3A_130 : vector<16xi32>
    %dma_start3A = arith.constant 0 : i32
    %dma_start3A_132 = arith.constant 0 : i32
    %dma_start3A_133 = arith.constant 0 : i32
    %dma_start3A_134 = arith.constant 0 : i32
    %dma_start3A_135 = arith.constant 0 : i32
    %dma_start3A_136 = tpu.memref_slice %arg8[%dma_start3A_132, %dma_start3A_134, %dma_start3A_135] : memref<4x128x64xf32, #tpu.memory_space<vmem>> -> memref<1x128x64xf32, #tpu.memory_space<vmem>>
    %dma_start3A_137 = tpu.memref_squeeze %dma_start3A_136 : memref<1x128x64xf32, #tpu.memory_space<vmem>> -> memref<128x64xf32, #tpu.memory_space<vmem>>
    %dma_start3A_138 = arith.constant 0 : i32
    %dma_start3A_139 = tpu.memref_slice %arg7[%dma_start3A, %dma_start3A_138] : memref<200x128xi32, #tpu.memory_space<vmem>> -> memref<1x128xi32, #tpu.memory_space<vmem>>
    %dma_start3A_140 = tpu.memref_squeeze %dma_start3A_139 : memref<1x128xi32, #tpu.memory_space<vmem>> -> memref<128xi32, #tpu.memory_space<vmem>>
    %dma_start3A_141 = arith.constant 0 : i32
    %dma_start3A_142 = arith.constant 0 : i32
    %dma_start3A_143 = tpu.memref_slice %arg3[%dma_start3A_141, %dma_start3A_142] : memref<1000000x64xf32, #tpu.memory_space<hbm>> -> memref<1000000x64xf32, #tpu.memory_space<hbm>>
    %dma_start3A_144 = tpu.memref_slice %arg10[%dma_start3A_133] : memref<4x!tpu.dma_semaphore, #tpu.memory_space<semaphore_mem>> -> memref<1x!tpu.dma_semaphore, #tpu.memory_space<semaphore_mem>>
    %dma_start3A_145 = tpu.memref_squeeze %dma_start3A_144 : memref<1x!tpu.dma_semaphore, #tpu.memory_space<semaphore_mem>> -> memref<!tpu.dma_semaphore, #tpu.memory_space<semaphore_mem>>
    tpu.enqueue_indirect_dma source(%dma_start3A_143 : memref<1000000x64xf32, #tpu.memory_space<hbm>>) target(%dma_start3A_137 : memref<128x64xf32, #tpu.memory_space<vmem>>) offsets(%dma_start3A_140 : memref<128xi32, #tpu.memory_space<vmem>>) semaphore(%dma_start3A_145 : memref<!tpu.dma_semaphore, #tpu.memory_space<semaphore_mem>>)
    %dma_start3A_146 = arith.constant 1 : i32
    %dma_start3A_147 = arith.constant 1 : i32
    %dma_start3A_148 = arith.constant 1 : i32
    %dma_start3A_149 = arith.constant 0 : i32
    %dma_start3A_150 = arith.constant 0 : i32
    %dma_start3A_151 = tpu.memref_slice %arg8[%dma_start3A_147, %dma_start3A_149, %dma_start3A_150] : memref<4x128x64xf32, #tpu.memory_space<vmem>> -> memref<1x128x64xf32, #tpu.memory_space<vmem>>
    %dma_start3A_152 = tpu.memref_squeeze %dma_start3A_151 : memref<1x128x64xf32, #tpu.memory_space<vmem>> -> memref<128x64xf32, #tpu.memory_space<vmem>>
    %dma_start3A_153 = arith.constant 0 : i32
    %dma_start3A_154 = tpu.memref_slice %arg7[%dma_start3A_146, %dma_start3A_153] : memref<200x128xi32, #tpu.memory_space<vmem>> -> memref<1x128xi32, #tpu.memory_space<vmem>>
    %dma_start3A_155 = tpu.memref_squeeze %dma_start3A_154 : memref<1x128xi32, #tpu.memory_space<vmem>> -> memref<128xi32, #tpu.memory_space<vmem>>
    %dma_start3A_156 = arith.constant 0 : i32
    %dma_start3A_157 = arith.constant 0 : i32
    %dma_start3A_158 = tpu.memref_slice %arg3[%dma_start3A_156, %dma_start3A_157] : memref<1000000x64xf32, #tpu.memory_space<hbm>> -> memref<1000000x64xf32, #tpu.memory_space<hbm>>
    %dma_start3A_159 = tpu.memref_slice %arg10[%dma_start3A_148] : memref<4x!tpu.dma_semaphore, #tpu.memory_space<semaphore_mem>> -> memref<1x!tpu.dma_semaphore, #tpu.memory_space<semaphore_mem>>
    %dma_start3A_160 = tpu.memref_squeeze %dma_start3A_159 : memref<1x!tpu.dma_semaphore, #tpu.memory_space<semaphore_mem>> -> memref<!tpu.dma_semaphore, #tpu.memory_space<semaphore_mem>>
    tpu.enqueue_indirect_dma source(%dma_start3A_158 : memref<1000000x64xf32, #tpu.memory_space<hbm>>) target(%dma_start3A_152 : memref<128x64xf32, #tpu.memory_space<vmem>>) offsets(%dma_start3A_155 : memref<128xi32, #tpu.memory_space<vmem>>) semaphore(%dma_start3A_160 : memref<!tpu.dma_semaphore, #tpu.memory_space<semaphore_mem>>)
    %dma_start3A_161 = arith.constant 2 : i32
    %dma_start3A_162 = arith.constant 2 : i32
    %dma_start3A_163 = arith.constant 2 : i32
    %dma_start3A_164 = arith.constant 0 : i32
    %dma_start3A_165 = arith.constant 0 : i32
    %dma_start3A_166 = tpu.memref_slice %arg8[%dma_start3A_162, %dma_start3A_164, %dma_start3A_165] : memref<4x128x64xf32, #tpu.memory_space<vmem>> -> memref<1x128x64xf32, #tpu.memory_space<vmem>>
    %dma_start3A_167 = tpu.memref_squeeze %dma_start3A_166 : memref<1x128x64xf32, #tpu.memory_space<vmem>> -> memref<128x64xf32, #tpu.memory_space<vmem>>
    %dma_start3A_168 = arith.constant 0 : i32
    %dma_start3A_169 = tpu.memref_slice %arg7[%dma_start3A_161, %dma_start3A_168] : memref<200x128xi32, #tpu.memory_space<vmem>> -> memref<1x128xi32, #tpu.memory_space<vmem>>
    %dma_start3A_170 = tpu.memref_squeeze %dma_start3A_169 : memref<1x128xi32, #tpu.memory_space<vmem>> -> memref<128xi32, #tpu.memory_space<vmem>>
    %dma_start3A_171 = arith.constant 0 : i32
    %dma_start3A_172 = arith.constant 0 : i32
    %dma_start3A_173 = tpu.memref_slice %arg3[%dma_start3A_171, %dma_start3A_172] : memref<1000000x64xf32, #tpu.memory_space<hbm>> -> memref<1000000x64xf32, #tpu.memory_space<hbm>>
    %dma_start3A_174 = tpu.memref_slice %arg10[%dma_start3A_163] : memref<4x!tpu.dma_semaphore, #tpu.memory_space<semaphore_mem>> -> memref<1x!tpu.dma_semaphore, #tpu.memory_space<semaphore_mem>>
    %dma_start3A_175 = tpu.memref_squeeze %dma_start3A_174 : memref<1x!tpu.dma_semaphore, #tpu.memory_space<semaphore_mem>> -> memref<!tpu.dma_semaphore, #tpu.memory_space<semaphore_mem>>
    tpu.enqueue_indirect_dma source(%dma_start3A_173 : memref<1000000x64xf32, #tpu.memory_space<hbm>>) target(%dma_start3A_167 : memref<128x64xf32, #tpu.memory_space<vmem>>) offsets(%dma_start3A_170 : memref<128xi32, #tpu.memory_space<vmem>>) semaphore(%dma_start3A_175 : memref<!tpu.dma_semaphore, #tpu.memory_space<semaphore_mem>>)
    %scan3A = arith.constant 0 : i32
    %scan3A_176 = arith.constant 200 : i32
    %scan3A_177 = arith.addi %scan3A, %scan3A_176 : i32
    %scan3A_178 = arith.constant 1 : i32
    scf.for %scan3A_229 = %scan3A to %scan3A_177 step %scan3A_178  : i32 {
      %mul3A_230 = arith.constant 1 : i32
      %mul3A_231 = arith.muli %scan3A_229, %mul3A_230 : i32
      %add3A_232 = arith.constant 0 : i32
      %add3A_233 = arith.addi %add3A_232, %mul3A_231 : i32
      %rem3A_234 = arith.constant 4 : i32
      %rem3A_235 = arith.remsi %add3A_233, %rem3A_234 : i32
      %rem3A_236 = arith.constant 2 : i32
      %rem3A_237 = arith.remsi %add3A_233, %rem3A_236 : i32
      %add3A_238 = arith.constant 3 : i32
      %add3A_239 = arith.addi %add3A_233, %add3A_238 : i32
      %lt3A = arith.constant 200 : i32
      %lt3A_240 = arith.cmpi slt, %add3A_239, %lt3A : i32
      %convert_element_type3A = arith.extui %lt3A_240 : i1 to i32
      %cond3A = arith.constant 0 : i32
      %cond3A_241 = arith.cmpi ne, %convert_element_type3A, %cond3A : i32
      scf.if %cond3A_241 {
        %add3A_293 = arith.constant 3 : i32
        %add3A_294 = arith.addi %add3A_233, %add3A_293 : i32
        %add3A_295 = arith.constant 3 : i32
        %add3A_296 = arith.addi %add3A_233, %add3A_295 : i32
        %rem3A_297 = arith.constant 4 : i32
        %rem3A_298 = arith.remsi %add3A_296, %rem3A_297 : i32
        %dma_start3A_299 = arith.constant 0 : i32
        %dma_start3A_300 = arith.constant 0 : i32
        %dma_start3A_301 = tpu.memref_slice %arg8[%rem3A_298, %dma_start3A_299, %dma_start3A_300] : memref<4x128x64xf32, #tpu.memory_space<vmem>> -> memref<1x128x64xf32, #tpu.memory_space<vmem>>
        %dma_start3A_302 = tpu.memref_squeeze %dma_start3A_301 : memref<1x128x64xf32, #tpu.memory_space<vmem>> -> memref<128x64xf32, #tpu.memory_space<vmem>>
        %dma_start3A_303 = arith.constant 0 : i32
        %dma_start3A_304 = tpu.memref_slice %arg7[%add3A_294, %dma_start3A_303] : memref<200x128xi32, #tpu.memory_space<vmem>> -> memref<1x128xi32, #tpu.memory_space<vmem>>
        %dma_start3A_305 = tpu.memref_squeeze %dma_start3A_304 : memref<1x128xi32, #tpu.memory_space<vmem>> -> memref<128xi32, #tpu.memory_space<vmem>>
        %dma_start3A_306 = arith.constant 0 : i32
        %dma_start3A_307 = arith.constant 0 : i32
        %dma_start3A_308 = tpu.memref_slice %arg3[%dma_start3A_306, %dma_start3A_307] : memref<1000000x64xf32, #tpu.memory_space<hbm>> -> memref<1000000x64xf32, #tpu.memory_space<hbm>>
        %dma_start3A_309 = tpu.memref_slice %arg10[%rem3A_298] : memref<4x!tpu.dma_semaphore, #tpu.memory_space<semaphore_mem>> -> memref<1x!tpu.dma_semaphore, #tpu.memory_space<semaphore_mem>>
        %dma_start3A_310 = tpu.memref_squeeze %dma_start3A_309 : memref<1x!tpu.dma_semaphore, #tpu.memory_space<semaphore_mem>> -> memref<!tpu.dma_semaphore, #tpu.memory_space<semaphore_mem>>
        tpu.enqueue_indirect_dma source(%dma_start3A_308 : memref<1000000x64xf32, #tpu.memory_space<hbm>>) target(%dma_start3A_302 : memref<128x64xf32, #tpu.memory_space<vmem>>) offsets(%dma_start3A_305 : memref<128xi32, #tpu.memory_space<vmem>>) semaphore(%dma_start3A_310 : memref<!tpu.dma_semaphore, #tpu.memory_space<semaphore_mem>>)
      } else {
      }
      %dma_wait3A_242 = arith.constant 0 : i32
      %dma_wait3A_243 = arith.constant 0 : i32
      %dma_wait3A_244 = tpu.memref_slice %arg8[%rem3A_235, %dma_wait3A_242, %dma_wait3A_243] : memref<4x128x64xf32, #tpu.memory_space<vmem>> -> memref<1x128x64xf32, #tpu.memory_space<vmem>>
      %dma_wait3A_245 = tpu.memref_squeeze %dma_wait3A_244 : memref<1x128x64xf32, #tpu.memory_space<vmem>> -> memref<128x64xf32, #tpu.memory_space<vmem>>
      %dma_wait3A_246 = arith.constant 0 : i32
      %dma_wait3A_247 = tpu.memref_slice %arg7[%add3A_233, %dma_wait3A_246] : memref<200x128xi32, #tpu.memory_space<vmem>> -> memref<1x128xi32, #tpu.memory_space<vmem>>
      %dma_wait3A_248 = tpu.memref_squeeze %dma_wait3A_247 : memref<1x128xi32, #tpu.memory_space<vmem>> -> memref<128xi32, #tpu.memory_space<vmem>>
      %dma_wait3A_249 = arith.constant 0 : i32
      %dma_wait3A_250 = arith.constant 0 : i32
      %dma_wait3A_251 = tpu.memref_slice %arg3[%dma_wait3A_249, %dma_wait3A_250] : memref<1000000x64xf32, #tpu.memory_space<hbm>> -> memref<1000000x64xf32, #tpu.memory_space<hbm>>
      %dma_wait3A_252 = tpu.memref_slice %arg10[%rem3A_235] : memref<4x!tpu.dma_semaphore, #tpu.memory_space<semaphore_mem>> -> memref<1x!tpu.dma_semaphore, #tpu.memory_space<semaphore_mem>>
      %dma_wait3A_253 = tpu.memref_squeeze %dma_wait3A_252 : memref<1x!tpu.dma_semaphore, #tpu.memory_space<semaphore_mem>> -> memref<!tpu.dma_semaphore, #tpu.memory_space<semaphore_mem>>
      tpu.wait_indirect_dma semaphore(%dma_wait3A_253 : memref<!tpu.dma_semaphore, #tpu.memory_space<semaphore_mem>>) src(%dma_wait3A_251 : memref<1000000x64xf32, #tpu.memory_space<hbm>>) dst(%dma_wait3A_245 : memref<128x64xf32, #tpu.memory_space<vmem>>)
      %ge3A = arith.constant 2 : i32
      %ge3A_254 = arith.cmpi sge, %add3A_233, %ge3A : i32
      %convert_element_type3A_255 = arith.extui %ge3A_254 : i1 to i32
      %cond3A_256 = arith.constant 0 : i32
      %cond3A_257 = arith.cmpi ne, %convert_element_type3A_255, %cond3A_256 : i32
      scf.if %cond3A_257 {
        %sub3A_293 = arith.constant 2 : i32
        %sub3A_294 = arith.subi %add3A_233, %sub3A_293 : i32
        %dma_wait3A_295 = arith.constant 0 : i32
        %dma_wait3A_296 = arith.constant 0 : i32
        %dma_wait3A_297 = arith.constant 0 : i32
        %dma_wait3A_298 = tpu.memref_slice %arg9[%rem3A_237, %dma_wait3A_295, %dma_wait3A_296, %dma_wait3A_297] : memref<2x8x8x133xf32, #tpu.memory_space<vmem>> -> memref<1x8x8x128xf32, #tpu.memory_space<vmem>>
        %dma_wait3A_299 = tpu.memref_squeeze %dma_wait3A_298 : memref<1x8x8x128xf32, #tpu.memory_space<vmem>> -> memref<8x8x128xf32, #tpu.memory_space<vmem>>
        %dma_wait3A_300 = arith.constant 0 : i32
        %dma_wait3A_301 = arith.constant 0 : i32
        %dma_wait3A_302 = arith.constant 0 : i32
        %dma_wait3A_303 = tpu.memref_slice %arg5[%sub3A_294, %dma_wait3A_300, %add3A, %dma_wait3A_301, %dma_wait3A_302] : memref<200x8x32x8x128xf32, #tpu.memory_space<hbm>> -> memref<1x8x1x8x128xf32, #tpu.memory_space<hbm>>
        %dma_wait3A_304 = tpu.memref_squeeze %dma_wait3A_303 : memref<1x8x1x8x128xf32, #tpu.memory_space<hbm>> -> memref<8x8x128xf32, #tpu.memory_space<hbm>>
        %dma_wait3A_305 = tpu.memref_slice %arg11[%rem3A_237] : memref<2x!tpu.dma_semaphore, #tpu.memory_space<semaphore_mem>> -> memref<1x!tpu.dma_semaphore, #tpu.memory_space<semaphore_mem>>
        %dma_wait3A_306 = tpu.memref_squeeze %dma_wait3A_305 : memref<1x!tpu.dma_semaphore, #tpu.memory_space<semaphore_mem>> -> memref<!tpu.dma_semaphore, #tpu.memory_space<semaphore_mem>>
        %dma_wait3A_307 = arith.constant 0 : i32
        %dma_wait3A_308 = arith.constant 0 : i32
        %dma_wait3A_309 = arith.constant 0 : i32
        %dma_wait3A_310 = tpu.memref_slice %arg5[%sub3A_294, %dma_wait3A_307, %add3A, %dma_wait3A_308, %dma_wait3A_309] : memref<200x8x32x8x128xf32, #tpu.memory_space<hbm>> -> memref<1x8x1x8x128xf32, #tpu.memory_space<hbm>>
        %dma_wait3A_311 = tpu.memref_squeeze %dma_wait3A_310 : memref<1x8x1x8x128xf32, #tpu.memory_space<hbm>> -> memref<8x8x128xf32, #tpu.memory_space<hbm>>
        %dma_wait3A_312 = arith.constant 0 : i32
        %dma_wait3A_313 = arith.constant 0 : i32
        %dma_wait3A_314 = arith.constant 0 : i32
        %dma_wait3A_315 = tpu.memref_slice %arg9[%rem3A_237, %dma_wait3A_312, %dma_wait3A_313, %dma_wait3A_314] : memref<2x8x8x133xf32, #tpu.memory_space<vmem>> -> memref<1x8x8x128xf32, #tpu.memory_space<vmem>>
        %dma_wait3A_316 = tpu.memref_squeeze %dma_wait3A_315 : memref<1x8x8x128xf32, #tpu.memory_space<vmem>> -> memref<8x8x128xf32, #tpu.memory_space<vmem>>
        tpu.wait_dma2 semaphore(%dma_wait3A_306 : memref<!tpu.dma_semaphore, #tpu.memory_space<semaphore_mem>>) src(%dma_wait3A_316 : memref<8x8x128xf32, #tpu.memory_space<vmem>>) dst(%dma_wait3A_311 : memref<8x8x128xf32, #tpu.memory_space<hbm>>)
      } else {
      }
      %get3A = arith.index_cast %add3A_233 : i32 to index
      %get3A_258 = arith.constant 0 : index
      %get3A_259 = tpu.vector_load %arg6[%get3A, %get3A_258] {strides = array<i32>} : memref<200x64xf32, #tpu.memory_space<vmem>>, vector<16xf32>,
      %get3A_260 = arith.index_cast %add3A_233 : i32 to index
      %get3A_261 = arith.constant 16 : index
      %get3A_262 = tpu.vector_load %arg6[%get3A_260, %get3A_261] {strides = array<i32>} : memref<200x64xf32, #tpu.memory_space<vmem>>, vector<16xf32>,
      %get3A_263 = arith.index_cast %add3A_233 : i32 to index
      %get3A_264 = arith.constant 32 : index
      %get3A_265 = tpu.vector_load %arg6[%get3A_263, %get3A_264] {strides = array<i32>} : memref<200x64xf32, #tpu.memory_space<vmem>>, vector<16xf32>,
      %get3A_266 = arith.index_cast %add3A_233 : i32 to index
      %get3A_267 = arith.constant 48 : index
      %get3A_268 = tpu.vector_load %arg6[%get3A_266, %get3A_267] {strides = array<i32>} : memref<200x64xf32, #tpu.memory_space<vmem>>, vector<16xf32>,
      %parallel_loop3A = arith.constant 0 : i32
      %parallel_loop3A_269 = arith.constant 128 : i32
      %parallel_loop3A_270 = arith.constant 1 : i32
      scf.for %parallel_loop3A_293 = %parallel_loop3A to %parallel_loop3A_269 step %parallel_loop3A_270  : i32 {
        %parallel_loop3A_294 = vector.broadcast %parallel_loop3A_293 : i32 to vector<16xi32>
        %parallel_loop3A_295 = arith.constant 0 : i32
        %parallel_loop3A_296 = arith.constant 0 : i32
        %parallel_loop3A_297 = tpu.memref_slice %arg8[%rem3A_235, %parallel_loop3A_295, %parallel_loop3A_296] : memref<4x128x64xf32, #tpu.memory_space<vmem>> -> memref<1x128x64xf32, #tpu.memory_space<vmem>>
        %parallel_loop3A_298 = tpu.memref_squeeze %parallel_loop3A_297 : memref<1x128x64xf32, #tpu.memory_space<vmem>> -> memref<128x64xf32, #tpu.memory_space<vmem>>
        %parallel_loop3A_299 = arith.index_cast %parallel_loop3A_293 : i32 to index
        %parallel_loop3A_300 = arith.constant 0 : index
        %parallel_loop3A_301 = tpu.vector_load %parallel_loop3A_298[%parallel_loop3A_299, %parallel_loop3A_300] {strides = array<i32>} : memref<128x64xf32, #tpu.memory_space<vmem>>, vector<16xf32>,
        %parallel_loop3A_302 = arith.addf %parallel_loop3A_301, %get3A_259 : vector<16xf32>
        %parallel_loop3A_303 = arith.constant 0 : i32
        %parallel_loop3A_304 = arith.constant 0 : i32
        %parallel_loop3A_305 = arith.constant 0 : i32
        %parallel_loop3A_306 = tpu.memref_slice %arg9[%rem3A_237, %parallel_loop3A_303, %parallel_loop3A_304, %parallel_loop3A_305] : memref<2x8x8x133xf32, #tpu.memory_space<vmem>> -> memref<1x8x8x133xf32, #tpu.memory_space<vmem>>
        %parallel_loop3A_307 = tpu.memref_squeeze %parallel_loop3A_306 : memref<1x8x8x133xf32, #tpu.memory_space<vmem>> -> memref<8x8x133xf32, #tpu.memory_space<vmem>>
        tpu.vector_store_idx %parallel_loop3A_307[%add3A_26, %rem3A_131, %parallel_loop3A_294], %parallel_loop3A_302 : memref<8x8x133xf32, #tpu.memory_space<vmem>>[vector<16xi32>, vector<16xi32>, vector<16xi32>], vector<16xf32>,
        %parallel_loop3A_308 = arith.constant 0 : i32
        %parallel_loop3A_309 = arith.constant 0 : i32
        %parallel_loop3A_310 = tpu.memref_slice %arg8[%rem3A_235, %parallel_loop3A_308, %parallel_loop3A_309] : memref<4x128x64xf32, #tpu.memory_space<vmem>> -> memref<1x128x64xf32, #tpu.memory_space<vmem>>
        %parallel_loop3A_311 = tpu.memref_squeeze %parallel_loop3A_310 : memref<1x128x64xf32, #tpu.memory_space<vmem>> -> memref<128x64xf32, #tpu.memory_space<vmem>>
        %parallel_loop3A_312 = arith.index_cast %parallel_loop3A_293 : i32 to index
        %parallel_loop3A_313 = arith.constant 16 : index
        %parallel_loop3A_314 = tpu.vector_load %parallel_loop3A_311[%parallel_loop3A_312, %parallel_loop3A_313] {strides = array<i32>} : memref<128x64xf32, #tpu.memory_space<vmem>>, vector<16xf32>,
        %parallel_loop3A_315 = arith.addf %parallel_loop3A_314, %get3A_262 : vector<16xf32>
        %parallel_loop3A_316 = arith.constant 0 : i32
        %parallel_loop3A_317 = arith.constant 0 : i32
        %parallel_loop3A_318 = arith.constant 0 : i32
        %parallel_loop3A_319 = tpu.memref_slice %arg9[%rem3A_237, %parallel_loop3A_316, %parallel_loop3A_317, %parallel_loop3A_318] : memref<2x8x8x133xf32, #tpu.memory_space<vmem>> -> memref<1x8x8x133xf32, #tpu.memory_space<vmem>>
        %parallel_loop3A_320 = tpu.memref_squeeze %parallel_loop3A_319 : memref<1x8x8x133xf32, #tpu.memory_space<vmem>> -> memref<8x8x133xf32, #tpu.memory_space<vmem>>
        tpu.vector_store_idx %parallel_loop3A_320[%add3A_60, %rem3A_131, %parallel_loop3A_294], %parallel_loop3A_315 : memref<8x8x133xf32, #tpu.memory_space<vmem>>[vector<16xi32>, vector<16xi32>, vector<16xi32>], vector<16xf32>,
        %parallel_loop3A_321 = arith.constant 0 : i32
        %parallel_loop3A_322 = arith.constant 0 : i32
        %parallel_loop3A_323 = tpu.memref_slice %arg8[%rem3A_235, %parallel_loop3A_321, %parallel_loop3A_322] : memref<4x128x64xf32, #tpu.memory_space<vmem>> -> memref<1x128x64xf32, #tpu.memory_space<vmem>>
        %parallel_loop3A_324 = tpu.memref_squeeze %parallel_loop3A_323 : memref<1x128x64xf32, #tpu.memory_space<vmem>> -> memref<128x64xf32, #tpu.memory_space<vmem>>
        %parallel_loop3A_325 = arith.index_cast %parallel_loop3A_293 : i32 to index
        %parallel_loop3A_326 = arith.constant 32 : index
        %parallel_loop3A_327 = tpu.vector_load %parallel_loop3A_324[%parallel_loop3A_325, %parallel_loop3A_326] {strides = array<i32>} : memref<128x64xf32, #tpu.memory_space<vmem>>, vector<16xf32>,
        %parallel_loop3A_328 = arith.addf %parallel_loop3A_327, %get3A_265 : vector<16xf32>
        %parallel_loop3A_329 = arith.constant 0 : i32
        %parallel_loop3A_330 = arith.constant 0 : i32
        %parallel_loop3A_331 = arith.constant 0 : i32
        %parallel_loop3A_332 = tpu.memref_slice %arg9[%rem3A_237, %parallel_loop3A_329, %parallel_loop3A_330, %parallel_loop3A_331] : memref<2x8x8x133xf32, #tpu.memory_space<vmem>> -> memref<1x8x8x133xf32, #tpu.memory_space<vmem>>
        %parallel_loop3A_333 = tpu.memref_squeeze %parallel_loop3A_332 : memref<1x8x8x133xf32, #tpu.memory_space<vmem>> -> memref<8x8x133xf32, #tpu.memory_space<vmem>>
        tpu.vector_store_idx %parallel_loop3A_333[%add3A_94, %rem3A_131, %parallel_loop3A_294], %parallel_loop3A_328 : memref<8x8x133xf32, #tpu.memory_space<vmem>>[vector<16xi32>, vector<16xi32>, vector<16xi32>], vector<16xf32>,
        %parallel_loop3A_334 = arith.constant 0 : i32
        %parallel_loop3A_335 = arith.constant 0 : i32
        %parallel_loop3A_336 = tpu.memref_slice %arg8[%rem3A_235, %parallel_loop3A_334, %parallel_loop3A_335] : memref<4x128x64xf32, #tpu.memory_space<vmem>> -> memref<1x128x64xf32, #tpu.memory_space<vmem>>
        %parallel_loop3A_337 = tpu.memref_squeeze %parallel_loop3A_336 : memref<1x128x64xf32, #tpu.memory_space<vmem>> -> memref<128x64xf32, #tpu.memory_space<vmem>>
        %parallel_loop3A_338 = arith.index_cast %parallel_loop3A_293 : i32 to index
        %parallel_loop3A_339 = arith.constant 48 : index
        %parallel_loop3A_340 = tpu.vector_load %parallel_loop3A_337[%parallel_loop3A_338, %parallel_loop3A_339] {strides = array<i32>} : memref<128x64xf32, #tpu.memory_space<vmem>>, vector<16xf32>,
        %parallel_loop3A_341 = arith.addf %parallel_loop3A_340, %get3A_268 : vector<16xf32>
        %parallel_loop3A_342 = arith.constant 0 : i32
        %parallel_loop3A_343 = arith.constant 0 : i32
        %parallel_loop3A_344 = arith.constant 0 : i32
        %parallel_loop3A_345 = tpu.memref_slice %arg9[%rem3A_237, %parallel_loop3A_342, %parallel_loop3A_343, %parallel_loop3A_344] : memref<2x8x8x133xf32, #tpu.memory_space<vmem>> -> memref<1x8x8x133xf32, #tpu.memory_space<vmem>>
        %parallel_loop3A_346 = tpu.memref_squeeze %parallel_loop3A_345 : memref<1x8x8x133xf32, #tpu.memory_space<vmem>> -> memref<8x8x133xf32, #tpu.memory_space<vmem>>
        tpu.vector_store_idx %parallel_loop3A_346[%add3A_128, %rem3A_131, %parallel_loop3A_294], %parallel_loop3A_341 : memref<8x8x133xf32, #tpu.memory_space<vmem>>[vector<16xi32>, vector<16xi32>, vector<16xi32>], vector<16xf32>,
      } {sc.loop_unroll_factor = 4 : i64, sc.parallel_access}
      %dma_start3A_271 = arith.constant 0 : i32
      %dma_start3A_272 = arith.constant 0 : i32
      %dma_start3A_273 = arith.constant 0 : i32
      %dma_start3A_274 = tpu.memref_slice %arg9[%rem3A_237, %dma_start3A_271, %dma_start3A_272, %dma_start3A_273] : memref<2x8x8x133xf32, #tpu.memory_space<vmem>> -> memref<1x8x8x128xf32, #tpu.memory_space<vmem>>
      %dma_start3A_275 = tpu.memref_squeeze %dma_start3A_274 : memref<1x8x8x128xf32, #tpu.memory_space<vmem>> -> memref<8x8x128xf32, #tpu.memory_space<vmem>>
      %dma_start3A_276 = arith.constant 0 : i32
      %dma_start3A_277 = arith.constant 0 : i32
      %dma_start3A_278 = arith.constant 0 : i32
      %dma_start3A_279 = tpu.memref_slice %arg5[%add3A_233, %dma_start3A_276, %add3A, %dma_start3A_277, %dma_start3A_278] : memref<200x8x32x8x128xf32, #tpu.memory_space<hbm>> -> memref<1x8x1x8x128xf32, #tpu.memory_space<hbm>>
      %dma_start3A_280 = tpu.memref_squeeze %dma_start3A_279 : memref<1x8x1x8x128xf32, #tpu.memory_space<hbm>> -> memref<8x8x128xf32, #tpu.memory_space<hbm>>
      %dma_start3A_281 = tpu.memref_slice %arg11[%rem3A_237] : memref<2x!tpu.dma_semaphore, #tpu.memory_space<semaphore_mem>> -> memref<1x!tpu.dma_semaphore, #tpu.memory_space<semaphore_mem>>
      %dma_start3A_282 = tpu.memref_squeeze %dma_start3A_281 : memref<1x!tpu.dma_semaphore, #tpu.memory_space<semaphore_mem>> -> memref<!tpu.dma_semaphore, #tpu.memory_space<semaphore_mem>>
      %dma_start3A_283 = arith.constant 0 : i32
      %dma_start3A_284 = arith.constant 0 : i32
      %dma_start3A_285 = arith.constant 0 : i32
      %dma_start3A_286 = tpu.memref_slice %arg5[%add3A_233, %dma_start3A_283, %add3A, %dma_start3A_284, %dma_start3A_285] : memref<200x8x32x8x128xf32, #tpu.memory_space<hbm>> -> memref<1x8x1x8x128xf32, #tpu.memory_space<hbm>>
      %dma_start3A_287 = tpu.memref_squeeze %dma_start3A_286 : memref<1x8x1x8x128xf32, #tpu.memory_space<hbm>> -> memref<8x8x128xf32, #tpu.memory_space<hbm>>
      %dma_start3A_288 = arith.constant 0 : i32
      %dma_start3A_289 = arith.constant 0 : i32
      %dma_start3A_290 = arith.constant 0 : i32
      %dma_start3A_291 = tpu.memref_slice %arg9[%rem3A_237, %dma_start3A_288, %dma_start3A_289, %dma_start3A_290] : memref<2x8x8x133xf32, #tpu.memory_space<vmem>> -> memref<1x8x8x128xf32, #tpu.memory_space<vmem>>
      %dma_start3A_292 = tpu.memref_squeeze %dma_start3A_291 : memref<1x8x8x128xf32, #tpu.memory_space<vmem>> -> memref<8x8x128xf32, #tpu.memory_space<vmem>>
      tpu.enqueue_dma source(%dma_start3A_292 : memref<8x8x128xf32, #tpu.memory_space<vmem>>) target(%dma_start3A_287 : memref<8x8x128xf32, #tpu.memory_space<hbm>>) target_semaphore(%dma_start3A_282 : memref<!tpu.dma_semaphore, #tpu.memory_space<semaphore_mem>>)
    }
    %scan3A_179 = arith.constant 200 : i32
    %dma_wait3A = arith.constant 0 : i32
    %dma_wait3A_180 = arith.constant 198 : i32
    %dma_wait3A_181 = arith.constant 0 : i32
    %dma_wait3A_182 = arith.constant 0 : i32
    %dma_wait3A_183 = arith.constant 0 : i32
    %dma_wait3A_184 = arith.constant 0 : i32
    %dma_wait3A_185 = tpu.memref_slice %arg9[%dma_wait3A, %dma_wait3A_182, %dma_wait3A_183, %dma_wait3A_184] : memref<2x8x8x133xf32, #tpu.memory_space<vmem>> -> memref<1x8x8x128xf32, #tpu.memory_space<vmem>>
    %dma_wait3A_186 = tpu.memref_squeeze %dma_wait3A_185 : memref<1x8x8x128xf32, #tpu.memory_space<vmem>> -> memref<8x8x128xf32, #tpu.memory_space<vmem>>
    %dma_wait3A_187 = arith.constant 0 : i32
    %dma_wait3A_188 = arith.constant 0 : i32
    %dma_wait3A_189 = arith.constant 0 : i32
    %dma_wait3A_190 = tpu.memref_slice %arg5[%dma_wait3A_180, %dma_wait3A_187, %add3A, %dma_wait3A_188, %dma_wait3A_189] : memref<200x8x32x8x128xf32, #tpu.memory_space<hbm>> -> memref<1x8x1x8x128xf32, #tpu.memory_space<hbm>>
    %dma_wait3A_191 = tpu.memref_squeeze %dma_wait3A_190 : memref<1x8x1x8x128xf32, #tpu.memory_space<hbm>> -> memref<8x8x128xf32, #tpu.memory_space<hbm>>
    %dma_wait3A_192 = tpu.memref_slice %arg11[%dma_wait3A_181] : memref<2x!tpu.dma_semaphore, #tpu.memory_space<semaphore_mem>> -> memref<1x!tpu.dma_semaphore, #tpu.memory_space<semaphore_mem>>
    %dma_wait3A_193 = tpu.memref_squeeze %dma_wait3A_192 : memref<1x!tpu.dma_semaphore, #tpu.memory_space<semaphore_mem>> -> memref<!tpu.dma_semaphore, #tpu.memory_space<semaphore_mem>>
    %dma_wait3A_194 = arith.constant 0 : i32
    %dma_wait3A_195 = arith.constant 0 : i32
    %dma_wait3A_196 = arith.constant 0 : i32
    %dma_wait3A_197 = tpu.memref_slice %arg5[%dma_wait3A_180, %dma_wait3A_194, %add3A, %dma_wait3A_195, %dma_wait3A_196] : memref<200x8x32x8x128xf32, #tpu.memory_space<hbm>> -> memref<1x8x1x8x128xf32, #tpu.memory_space<hbm>>
    %dma_wait3A_198 = tpu.memref_squeeze %dma_wait3A_197 : memref<1x8x1x8x128xf32, #tpu.memory_space<hbm>> -> memref<8x8x128xf32, #tpu.memory_space<hbm>>
    %dma_wait3A_199 = arith.constant 0 : i32
    %dma_wait3A_200 = arith.constant 0 : i32
    %dma_wait3A_201 = arith.constant 0 : i32
    %dma_wait3A_202 = tpu.memref_slice %arg9[%dma_wait3A, %dma_wait3A_199, %dma_wait3A_200, %dma_wait3A_201] : memref<2x8x8x133xf32, #tpu.memory_space<vmem>> -> memref<1x8x8x128xf32, #tpu.memory_space<vmem>>
    %dma_wait3A_203 = tpu.memref_squeeze %dma_wait3A_202 : memref<1x8x8x128xf32, #tpu.memory_space<vmem>> -> memref<8x8x128xf32, #tpu.memory_space<vmem>>
    tpu.wait_dma2 semaphore(%dma_wait3A_193 : memref<!tpu.dma_semaphore, #tpu.memory_space<semaphore_mem>>) src(%dma_wait3A_203 : memref<8x8x128xf32, #tpu.memory_space<vmem>>) dst(%dma_wait3A_198 : memref<8x8x128xf32, #tpu.memory_space<hbm>>)
    %dma_wait3A_204 = arith.constant 1 : i32
    %dma_wait3A_205 = arith.constant 199 : i32
    %dma_wait3A_206 = arith.constant 1 : i32
    %dma_wait3A_207 = arith.constant 0 : i32
    %dma_wait3A_208 = arith.constant 0 : i32
    %dma_wait3A_209 = arith.constant 0 : i32
    %dma_wait3A_210 = tpu.memref_slice %arg9[%dma_wait3A_204, %dma_wait3A_207, %dma_wait3A_208, %dma_wait3A_209] : memref<2x8x8x133xf32, #tpu.memory_space<vmem>> -> memref<1x8x8x128xf32, #tpu.memory_space<vmem>>
    %dma_wait3A_211 = tpu.memref_squeeze %dma_wait3A_210 : memref<1x8x8x128xf32, #tpu.memory_space<vmem>> -> memref<8x8x128xf32, #tpu.memory_space<vmem>>
    %dma_wait3A_212 = arith.constant 0 : i32
    %dma_wait3A_213 = arith.constant 0 : i32
    %dma_wait3A_214 = arith.constant 0 : i32
    %dma_wait3A_215 = tpu.memref_slice %arg5[%dma_wait3A_205, %dma_wait3A_212, %add3A, %dma_wait3A_213, %dma_wait3A_214] : memref<200x8x32x8x128xf32, #tpu.memory_space<hbm>> -> memref<1x8x1x8x128xf32, #tpu.memory_space<hbm>>
    %dma_wait3A_216 = tpu.memref_squeeze %dma_wait3A_215 : memref<1x8x1x8x128xf32, #tpu.memory_space<hbm>> -> memref<8x8x128xf32, #tpu.memory_space<hbm>>
    %dma_wait3A_217 = tpu.memref_slice %arg11[%dma_wait3A_206] : memref<2x!tpu.dma_semaphore, #tpu.memory_space<semaphore_mem>> -> memref<1x!tpu.dma_semaphore, #tpu.memory_space<semaphore_mem>>
    %dma_wait3A_218 = tpu.memref_squeeze %dma_wait3A_217 : memref<1x!tpu.dma_semaphore, #tpu.memory_space<semaphore_mem>> -> memref<!tpu.dma_semaphore, #tpu.memory_space<semaphore_mem>>
    %dma_wait3A_219 = arith.constant 0 : i32
    %dma_wait3A_220 = arith.constant 0 : i32
    %dma_wait3A_221 = arith.constant 0 : i32
    %dma_wait3A_222 = tpu.memref_slice %arg5[%dma_wait3A_205, %dma_wait3A_219, %add3A, %dma_wait3A_220, %dma_wait3A_221] : memref<200x8x32x8x128xf32, #tpu.memory_space<hbm>> -> memref<1x8x1x8x128xf32, #tpu.memory_space<hbm>>
    %dma_wait3A_223 = tpu.memref_squeeze %dma_wait3A_222 : memref<1x8x1x8x128xf32, #tpu.memory_space<hbm>> -> memref<8x8x128xf32, #tpu.memory_space<hbm>>
    %dma_wait3A_224 = arith.constant 0 : i32
    %dma_wait3A_225 = arith.constant 0 : i32
    %dma_wait3A_226 = arith.constant 0 : i32
    %dma_wait3A_227 = tpu.memref_slice %arg9[%dma_wait3A_204, %dma_wait3A_224, %dma_wait3A_225, %dma_wait3A_226] : memref<2x8x8x133xf32, #tpu.memory_space<vmem>> -> memref<1x8x8x128xf32, #tpu.memory_space<vmem>>
    %dma_wait3A_228 = tpu.memref_squeeze %dma_wait3A_227 : memref<1x8x8x128xf32, #tpu.memory_space<vmem>> -> memref<8x8x128xf32, #tpu.memory_space<vmem>>
    tpu.wait_dma2 semaphore(%dma_wait3A_218 : memref<!tpu.dma_semaphore, #tpu.memory_space<semaphore_mem>>) src(%dma_wait3A_228 : memref<8x8x128xf32, #tpu.memory_space<vmem>>) dst(%dma_wait3A_223 : memref<8x8x128xf32, #tpu.memory_space<hbm>>)
    return
  }
}

</mosaic_0001>

<sc_bundles>
// kernel: kernel.3.cloned.1.call-start
scs
__scs_entry_jumppad:
0x0: {  	(pc) =	sbr.rel $0x88, $3  }
0x1: {  	(tag) =	ssettag $0x0;
	lr =	simm.s32 $0x1  }
0x2: {  	[smem:$0x3F9E] =	sst lr;
	_ =	strace $0xD0000000  }
0x3: {  	_ = 	snop  }
0x4: {  	_ = 	snop  }
0x5: {  	_ = 	snop  }
0x6: {  	_ = 	snop  }
0x7: {  	_ = 	snop  }
__scs_overlays_trampoline_lowered:
0x8: {  	[smem:$0x3FAD] =	sst s0  }
0x9: {  	[smem:$0x3FAE] =	sst s1  }
0xa: {  	[smem:$0x3FAF] =	sst s2  }
0xb: {  	[smem:$0x3FB0] =	sst s3  }
0xc: {  	[smem:$0x3FB1] =	sst s4  }
0xd: {  	[smem:$0x3FB2] =	sst s5  }
0xe: {  	[smem:$0x3FB3] =	sst s6  }
0xf: {  	[smem:$0x3FB4] =	sst s7  }
0x10: {  	[smem:$0x3FB5] =	sst s8  }
0x11: {  	[smem:$0x3FB6] =	sst s9;
	s0 =	simm.s32 @!p0 $0x0  }
0x12: {  	s1 =	sld [smem:$0x3F9C];
	s0 =	simm.s32 @p0 $0x1  }
0x13: {  	[smem:$0x3FB7] =	sst s0;
	s0 =	simm.s32 @!p1 $0x0  }
0x14: {  	s2 =	sld [smem:$0x3F9B];
	s0 =	simm.s32 @p1 $0x1  }
0x15: {  	[smem:$0x3FB8] =	sst s0;
	s0 =	simm.s32 @!p2 $0x0  }
0x16: {  	s3 =	sld [smem:$0x3FDB];
	s0 =	simm.s32 @p2 $0x1  }
0x17: {  	s4 =	simm.s32 $0x1BF5;
	[smem:$0x3FBA] =	sst s0  }
0x18: {  	s0 =	sld [smem:$0x3F9D];
	_ =	swait.ge [sflag:s4], $0x0  }
0x19: {  	s7 =	sld [smem:$0x3F9E]  }
0x1a: {  	s8 =	sadd.s32 $0xFFFFE003, lr  }
0x1b: {  	s9 =	sadd.s32 $0xFFFFFEF7, lr;
	s5 =	simm.s32 $0xFFFFFFFF;
	p2 =	slt.u32 s8, $0xFFFFF086  }
0x1c: {  	p1 =	slt.u32 s9, $0xF7A;
	s5 =	simm.s32 @!p2 $0x0  }
0x1d: {  	s5 =	simm.s32 @p1 $0x1;
	p0 =	seq.s32 s7, s2  }
0x1e: {  	s7 =	smul.u32 @!p0 $0xF7A, s2;
	p2 =	seq.s32 @!p0 s5, $0x0  }
0x1f: {  	s9 =	smul.u32 $0xF7A, s1;
	s8 =	simm.s32 @!p0 $0x1BF5;
	p2 =	por !p2, p0  }
0x20: {  	[sflag:s8] =	ssyncset.s32 @!p0 $0xFFFFF086;
	s6 =	sadd.s32 @!p0 s3, s7;
	s7 =	simm.s32 @!p0 $0x108  }
0x21: {  	s3 =	sadd.s32 s3, s9;
	s6 =	sadd.s32 @!p0 $0x88, s6;
	s7 =	simm.s32 @p2 $0x1082  }
0x22: {  	[simem:s7], [sflag:s8] =	dma.local @!p0 [hbm:s6], $0xF7A  }
0x23: {  	s9 =	sor.u32 $0xD0000000, s2;
	s6 =	simm.s32 $0x108;
	_ =	swait.ge @!p0 [sflag:s8], $0x0  }
0x24: {  	s3 =	sadd.s32 $0x88, s3;
	s6 =	simm.s32 @!p1 $0x1082;
	[sflag:s4] =	ssyncset.s32 $0xFFFFF086  }
0x25: {  	[simem:s6], [sflag:s4] =	dma.local [hbm:s3], $0xF7A  }
0x26: {  	[smem:$0x3F9E] =	sst s1;
	(tag) =	ssettag s2;
	_ =	strace s9  }
0x27: {  	s1 =	sld [smem:$0x3FAE]  }
0x28: {  	s2 =	sld [smem:$0x3FAF]  }
0x29: {  	s4 =	sld [smem:$0x3FB1]  }
0x2a: {  	p0 =	seq.s32 s5, $0x0;
	s5 =	sld [smem:$0x3FB2]  }
0x2b: {  	s6 =	sld [smem:$0x3FB3]  }
0x2c: {  	s7 =	sld [smem:$0x3FB4]  }
0x2d: {  	s3 =	simm.s32 $0x108;
	s8 =	sld [smem:$0x3FB5]  }
0x2e: {  	s3 =	simm.s32 @!p0 $0x1082;
	s9 =	sld [smem:$0x3FB6]  }
0x2f: {  	lr =	sadd.s32 s0, s3;
	s0 =	sld [smem:$0x3FAD]  }
0x30: {  	s3 =	sld [smem:$0x3FB0]  }
0x31: {  	[smem:$0x3FB9] =	sst s10  }
0x32: {  	s10 =	sld [smem:$0x3FB7];
	_ =	sdelay $0x3  }
0x33: {  	p0 =	seq.s32 s10, $0x1;
	s10 =	sld [smem:$0x3FB9];
	_ =	sdelay $0x3  }
0x34: {  	[smem:$0x3FB9] =	sst s10  }
0x35: {  	s10 =	sld [smem:$0x3FB8];
	_ =	sdelay $0x3  }
0x36: {  	p1 =	seq.s32 s10, $0x1;
	s10 =	sld [smem:$0x3FB9];
	_ =	sdelay $0x3  }
0x37: {  	[smem:$0x3FB9] =	sst s10  }
0x38: {  	s10 =	sld [smem:$0x3FBA]  }
0x39: {  	_ = 	snop;
	(pc) =	sbr.ind lr, $3  }
0x3a: {  	_ = 	snop  }
0x3b: {  	_ = 	snop  }
0x3c: {  	p2 =	seq.s32 s10, $0x1;
	s10 =	sld [smem:$0x3FB9]  }
0x3d: {  	_ =	shalt  }
0x3e: {  	_ =	shalt  }
0x3f: {  	_ =	shalt  }
0x40: {  	_ =	shalt  }
0x41: {  	_ =	shalt  }
0x42: {  	_ =	shalt  }
0x43: {  	_ =	shalt  }
0x44: {  	_ =	shalt  }
0x45: {  	_ =	shalt  }
0x46: {  	_ =	shalt  }
0x47: {  	_ =	shalt  }
0x48: {  	_ =	shalt  }
0x49: {  	_ =	shalt  }
0x4a: {  	_ =	shalt  }
0x4b: {  	_ =	shalt  }
0x4c: {  	_ =	shalt  }
0x4d: {  	_ =	shalt  }
0x4e: {  	_ =	shalt  }
0x4f: {  	_ =	shalt  }
0x50: {  	_ =	shalt  }
0x51: {  	_ =	shalt  }
0x52: {  	_ =	shalt  }
0x53: {  	_ =	shalt  }
0x54: {  	_ =	shalt  }
0x55: {  	_ =	shalt  }
0x56: {  	_ =	shalt  }
0x57: {  	_ =	shalt  }
0x58: {  	_ =	shalt  }
0x59: {  	_ =	shalt  }
0x5a: {  	_ =	shalt  }
0x5b: {  	_ =	shalt  }
0x5c: {  	_ =	shalt  }
0x5d: {  	_ =	shalt  }
0x5e: {  	_ =	shalt  }
0x5f: {  	_ =	shalt  }
0x60: {  	_ =	shalt  }
0x61: {  	_ =	shalt  }
0x62: {  	_ =	shalt  }
0x63: {  	_ =	shalt  }
0x64: {  	_ =	shalt  }
0x65: {  	_ =	shalt  }
0x66: {  	_ =	shalt  }
0x67: {  	_ =	shalt  }
0x68: {  	_ =	shalt  }
0x69: {  	_ =	shalt  }
0x6a: {  	_ =	shalt  }
0x6b: {  	_ =	shalt  }
0x6c: {  	_ =	shalt  }
0x6d: {  	_ =	shalt  }
0x6e: {  	_ =	shalt  }
0x6f: {  	_ =	shalt  }
0x70: {  	_ =	shalt  }
0x71: {  	_ =	shalt  }
0x72: {  	_ =	shalt  }
0x73: {  	_ =	shalt  }
0x74: {  	_ =	shalt  }
0x75: {  	_ =	shalt  }
0x76: {  	_ =	shalt  }
0x77: {  	_ =	shalt  }
0x78: {  	_ =	shalt  }
0x79: {  	_ =	shalt  }
0x7a: {  	_ =	shalt  }
0x7b: {  	_ =	shalt  }
0x7c: {  	_ =	shalt  }
0x7d: {  	_ =	shalt  }
0x7e: {  	_ =	shalt  }
0x7f: {  	_ =	shalt  }
0x80: {  	_ =	shalt  }
0x81: {  	_ =	shalt  }
0x82: {  	_ =	shalt  }
0x83: {  	_ =	shalt  }
0x84: {  	_ =	shalt  }
0x85: {  	_ =	shalt  }
0x86: {  	_ =	shalt  }
0x87: {  	_ =	shalt  }
.Lfunc_end0:
.L_simem_size_0:
called_computation_lowered:
.L_overlay_start_0:
0x88: {  	s2 =	sld [smem:$0x3FD9]  }
0x89: {  	s3 =	sld [smem:$0x3FFE];
	_ =	sdelay $0x1  }
0x8a: {  	s1 =	srdreg.scid  }
0x8b: {  	s0 =	sand.u32 $0x1, s1  }
0x8c: {  	s17 =	sshll.u32 s0, $0xA;
	s2 =	sadd.s32 s3, s2  }
0x8d: {  	s2 =	sadd.s32 s2, s17  }
0x8e: {  	[smem:$0x3FC5] =	sst s2  }
0x8f: {  	_ = 	snop  }
0x90: {  	s2 =	sld [smem:$0x3FD0];
	(tm) =	ssettm $0x1  }
0x91: {  	s18 =	sld [smem:$0x3FFB];
	_ =	sdelay $0x3  }
0x92: {  	_ =	strace s18  }
0x93: {  	s3 =	sld [smem:$0x3FFC];
	_ =	sdelay $0x3  }
0x94: {  	_ =	strace s3  }
0x95: {  	s3 =	sld [smem:$0x3FFD];
	_ =	sdelay $0x3  }
0x96: {  	_ =	strace s3  }
0x97: {  	_ =	strace $0x8FFFFFFF  }
0x98: {  	s19 =	sld [smem:$0x3FDB];
	_ =	sdelay $0x1  }
0x99: {  	s4 =	simm.s32 $_scs_section_size  }
0x9a: {  	s5 =	simm.s32 $_size__tile_overlayer_lowered;
	s6 =	simm.s32 $_tile_overlayer_lowered  }
0x9b: {  	s22 =	simm.s32 $0x1BFF;
	s21 =	sshll.u32 s6, $0x1;
	s3 =	sadd.s32 s4, s19  }
0x9c: {  	s7 =	simm.s32 $0x0;
	s20 =	sshll.u32 s5, $0x1;
	s5 =	sadd.s32 s21, s3  }
0x9d: {  	[timem:s7], [sflag:s22] =	dma.local [hbm:s5], s20  }
0x9e: {  	_ =	swait.ge [sflag:s22], s20  }
0x9f: {  	s4 =	ssub.s32 $0x0, s20;
	[sflag:s22] =	ssyncset.done $0x0  }
0xa0: {  	[sflag:s22] =	ssyncadd.s32 s4;
	_ =	sdelay $0x1  }
0xa1: {  	s23 =	simm.s32 $0x1B8B  }
0xa2: {  	_ =	swait.ge [sflag:s23], $0x1  }
0xa3: {  	[sflag:s23] =	ssyncset.done $0x0  }
0xa4: {  	s25 =	simm.s32 $0x1B8E;
	s24 =	sld [smem:$0x3FFE];
	[sflag:s23] =	ssyncadd.s32 $0xFFFFFFFF  }
0xa5: {  	s26 =	simm.s32 $execute0_lowered;
	[smem:$0x3FD2] =	sst s25  }
0xa6: {  	s5 =	sshll.u32 s26, $0x1;
	_ =	strace $0x80000046;
	[dreg:$0x1] =	wrdreg $0xFFFFFFFF  }
0xa7: {  	s28 =	simm.s32 $_size_execute0_lowered;
	s3 =	sadd.s32 s3, s5;
	[dreg:$0x0] =	wrdreg $0x0  }
0xa8: {  	s5 =	sshll.u32 s28, $0x1;
	[dreg:$0x2] =	wrdreg s3  }
0xa9: {  	[dreg:$0x3] =	wrdreg s5  }
0xaa: {  	[dreg:$0x4] =	wrdreg $0xC0  }
0xab: {  	_ =	task [dreg:s7], $0x5FFFF  }
0xac: {  	[dreg:$0x1] =	wrdreg $0xFFFFFFFF  }
0xad: {  	[dreg:$0x0] =	wrdreg $0x60  }
0xae: {  	[dreg:$0x2] =	wrdreg s24  }
0xaf: {  	[dreg:$0x3] =	wrdreg s2  }
0xb0: {  	[dreg:$0x4] =	wrdreg $0x9  }
0xb1: {  	_ =	task.clear_ibuf [dreg:s7], $0x5FFFF;
	_ =	strace $0x90000046  }
0xb2: {  	s29 =	simm.s32 $0x9;
	_ =	strace $0x80000048  }
0xb3: {  	_ =	swait.ge [sflag:s29], $0x1  }
0xb4: {  	[sflag:s29] =	ssyncadd.s32 $0xFFFFFFFF  }
0xb5: {  	_ =	strace $0x90000048  }
0xb6: {  	_ =	sfence  }
0xb7: {  	s30 =	sld [smem:$0x0];
	_ =	sdelay $0x2  }
0xb8: {  	s31 =	sshll.u32 s1, $0xD;
	s1 =	sshrl.u32 s1, $0x2  }
0xb9: {  	s3 =	sand.u32 $0x4000, s31;
	s1 =	sadd.s32 s1, s30  }
0xba: {  	s0 =	sor.u32 s3, s0;
	s1 =	sshll.u32 s1, $0x11  }
0xbb: {  	s0 =	sor.u32 s1, s0  }
0xbc: {  	s0 =	sadd.s32 $0x8F2B, s0  }
0xbd: {  	[sflag:s0] =	ssyncadd.remote.s32 $0x1  }
0xbe: {  	_ =	sfence.sel $0xFFFF  }
0xbf: {  	[dreg:$0x0] =	wrdreg $0xFFFFFFFF;
	(pc) =	sbr.abs _section_cstart, $3  }
0xc0: {  	[dreg:$0x1] =	wrdreg $0xFFFFFFFF  }
0xc1: {  	_ =	task.clear_ibuf [dreg:s7], $0x2FFFF;
	_ =	strace $0x9FFFFFFF  }
0xc2: {  	(tm) =	ssettm $0x7FFFFFFF  }
0xc3: {  	_ =	shalt  }
tec
execute0_lowered:
.L_overlay_start_1:
0x0: {  	(tag) =	ssettag $0x1  }
0x1: {  	s4 =	rddreg [dreg:$0x0]  }
0x2: {  	s1 =	srdreg.scid;
	s0 =	stileid.u32  }
0x3: {  	s6 =	rddreg [dreg:$0x1];
	s2 =	simm.s32 $0x0;
	s10 =	simm.s32 $0x80  }
0x4: {  	s11 =	simm.s32 $0x9600;
	s12 =	simm.s32 $0x3280;
	s13 =	simm.s32 $0xB600  }
0x5: {  	s14 =	simm.s32 $0x3300;
	s15 =	simm.s32 $0xD600;
	s16 =	simm.s32 $0x5  }
0x6: {  	s17 =	simm.s32 $0x6;
	s5 =	sand.u32 $0x1, s1;
	s3 =	sshll.u32 s0, $0x1  }
0x7: {  	s18 =	simm.s32 $0x0;
	s1 =	rddreg [dreg:$0x2];
	s7 =	sor.u32 s5, s3  }
0x8: {  	[smem:$0x7FF] =	sst s2;
	s5 =	ssub.s32 $0x2, s5;
	s3 =	smul.u32 $0xC80, s7  }
0x9: {  	v0 =	vlaneseq.u32;
	_ =	strace $0x80000047;
	s9 =	sshrl.u32 s5, $0x1;
	s7 =	sshll.u32 s7, $0x7  }
0xa: {  	v0 =	vmul.u32 $0x88, v0;
	s9 =	ssub.s32 s5, s9;
	s6 =	sadd.s32 s6, s7;
	s8 =	sadd.s32 s3, s4  }
0xb: {  	s3 =	sadd.s32 $0xF42E00, s4;
	s4 =	sadd.s32 $0x19A00, s4;
	s7 =	smax.u32 s9, $0x1  }
0xc: {  	v1 =	vadd.s32 $0x880, v0;
	v2 =	vadd.s32 $0x1100, v0;
	v3 =	vadd.s32 $0x1980, v0;
	s9 =	simm.s32 $0x3200;
	s5 =	sadd.s32 $0xA00, s8;
	s8 =	simm.s32 $0x7  }
.LBB2_1:
0xd: {  	[tilespmem:s2], [sflag:$0x7] =	stream.linear.gather [hbm4b:s4+s2], $0x3200, $0x38;
	[tilespmem:$0x15A00] =	vst v63  }
0xe: {  	_ =	swait.ge [sflag:s8], $0x3200  }
0xf: {  	[sflag:s8] =	ssyncset.done $0x0  }
0x10: {  	[sflag:s8] =	ssyncadd.s32 $0xFFFFCE00  }
0x11: {  	[tilespmem:s9], [sflag:$0x7] =	stream.linear.gather [hbm4b:s5+s2], $0x6400, $0x38;
	[tilespmem:$0x15A00] =	vst v63  }
0x12: {  	_ =	swait.ge [sflag:s8], $0x6400  }
0x13: {  	[sflag:s8] =	ssyncset.done $0x0  }
0x14: {  	[sflag:s8] =	ssyncadd.s32 $0xFFFF9C00  }
0x15: {  	[tilespmem:s11], [sflag:$0x1] =	stream.indirect.gather [hbm4b:s3+s10], $0x40, s9, s10, $0xb8;
	[tilespmem:$0x15A00] =	vst v63  }
0x16: {  	_ = 	snop  }
0x17: {  	[tilespmem:s13], [sflag:$0x2] =	stream.indirect.gather [hbm4b:s3+s10], $0x40, s12, s10, $0xb8;
	[tilespmem:$0x15A00] =	vst v63  }
0x18: {  	p0 =	por $0x0, $0x0;
	s19 =	simm.s32 $0x0;
	s20 =	simm.s32 $0x0  }
0x19: {  	[tilespmem:s15], [sflag:$0x3] =	stream.indirect.gather [hbm4b:s3+s10], $0x40, s14, s10, $0xb8;
	[tilespmem:$0x15A00] =	vst v63  }
.LBB2_2:
0x1a: {  	p1 =	sgt.u32 s20, $0xC4  }
0x1b: {  	s21 =	sadd.s32 @!p1 $0x3, s20  }
0x1c: {  	s24 =	sand.u32 $0x3, s20;
	s22 =	sand.u32 @!p1 $0x3, s21;
	s21 =	sshll.u32 @!p1 s21, $0x7  }
0x1d: {  	s25 =	simm.s32 @!p1 $0x80;
	s23 =	sshll.u32 @!p1 s22, $0xD;
	s21 =	sand.u32 @!p1 $0x3FFFFF80, s21  }
0x1e: {  	s22 =	sadd.s32 @!p1 $0x1, s22;
	s23 =	sor.u32 @!p1 $0x9600, s23;
	s21 =	sadd.s32 @!p1 $0x3200, s21  }
0x1f: {  	[tilespmem:s23], [sflag:s22] =	stream.indirect.gather @!p1 [hbm4b:s3+s25], $0x40, s21, s25, $0xb8;
	[tilespmem:$0x15A00] =	vst v63  }
0x20: {  	s23 =	sadd.s32 $0x1, s24  }
0x21: {  	_ =	swait.ge [sflag:s23], $0x2000  }
0x22: {  	s21 =	sand.u32 $0x1, s20;
	p1 =	slt.u32 s20, $0x2;
	[sflag:s23] =	ssyncset.done $0x0  }
0x23: {  	s22 =	sadd.s32 @!p1 $0x5, s21;
	[sflag:s23] =	ssyncadd.s32 $0xFFFFE000  }
0x24: {  	_ =	swait.ge @!p1 [sflag:s22], $0x2000  }
0x25: {  	s24 =	sand.u32 $0x3, s19;
	s25 =	sshll.u32 s20, $0x6;
	[sflag:s22] =	ssyncset.done @!p1 $0x0  }
0x26: {  	s23 =	sshll.u32 s24, $0xD;
	[sflag:s22] =	ssyncadd.s32 @!p1 $0xFFFFE000;
	s22 =	sand.u32 $0x3FFFFFC0, s25  }
0x27: {  	s26 =	simm.s32 $0x3;
	s23 =	sor.u32 $0x9680, s23;
	v8 =	vld [tilespmem:s22+$0x0]  }
0x28: {  	v4 =	vmov s26;
	v7 =	vld [tilespmem:s23+$0x40]  }
0x29: {  	v13 =	vand.u32 $0x7F, v4;
	v6 =	vld [tilespmem:s22+$0x10]  }
0x2a: {  	s29 =	simm.s32 $0x0;
	v9 =	vadd.s32 v0, v13;
	v5 =	vld [tilespmem:s22+$0x20]  }
0x2b: {  	s31 =	simm.s32 $0x1;
	s26 =	simm.s32 $0x2;
	v4 =	vmov s29;
	s30 =	smul.u32 $0x8800, s21;
	v10 =	vld [tilespmem:s23+$0xFFFFFF80]  }
0x2c: {  	v14 =	vmov s26;
	v12 =	vand.u32 $0x7C, v4;
	v4 =	vmov s31;
	v11 =	vld [tilespmem:s23+$0xFFFFFFC0]  }
0x2d: {  	v15 =	vadd.s32 v0, v12;
	v19 =	vand.u32 $0x7D, v4;
	s25 =	sshrl.u32 s30, $0x2;
	v16 =	vld [tilespmem:s23+$0x0];
	v7 =	vadd.f32 v7, v8  }
0x2e: {  	v21 =	vand.u32 $0x7E, v14;
	v17 =	vadd.s32 v0, v19;
	v4 =	vld [tilespmem:s22+$0x30];
	s22 =	sadd.s32 $0x11600, s25  }
0x2f: {  	v14 =	vadd.s32 v0, v21;
	[tilespmem:v9+s22+$0x0] =	vst.idx.msk $0xffff, v7  }
0x30: {  	v7 =	vadd.f32 v10, v8;
	v9 =	vld [tilespmem:s23+$0x50]  }
0x31: {  	v10 =	vadd.f32 v11, v8  }
0x32: {  	v11 =	vadd.s32 v1, v13;
	[tilespmem:v15+s22+$0x0] =	vst.idx.msk $0xffff, v7;
	v7 =	vadd.f32 v16, v8  }
0x33: {  	[tilespmem:v17+s22+$0x0] =	vst.idx.msk $0xffff, v10;
	v15 =	vld [tilespmem:s23+$0xFFFFFF90]  }
0x34: {  	v10 =	vld [tilespmem:s23+$0xFFFFFFD0];
	[tilespmem:v14+s22+$0x0] =	vst.idx.msk $0xffff, v7  }
0x35: {  	v14 =	vld [tilespmem:s23+$0x10];
	v7 =	vadd.f32 v9, v6  }
0x36: {  	s29 =	simm.s32 $0x7;
	s24 =	sadd.s32 $0x100, s23;
	v16 =	vadd.s32 v1, v19  }
0x37: {  	s26 =	simm.s32 $0x4;
	v26 =	vadd.s32 v2, v13;
	v18 =	vld [tilespmem:s24+$0x40];
	v17 =	vadd.s32 v1, v21;
	[tilespmem:v11+s22+$0x0] =	vst.idx.msk $0xffff, v7;
	v7 =	vmov s29  }
0x38: {  	v20 =	vadd.s32 v1, v12;
	v9 =	vmov s26;
	v7 =	vand.u32 $0x7F, v7;
	v22 =	vld [tilespmem:s23+$0x60]  }
0x39: {  	s30 =	simm.s32 $0x5;
	v23 =	vld [tilespmem:s24+$0xFFFFFF80];
	v9 =	vand.u32 $0x7C, v9;
	v10 =	vadd.f32 v10, v6;
	v24 =	vadd.s32 v0, v7  }
0x3a: {  	s31 =	simm.s32 $0x6;
	v25 =	vld [tilespmem:s24+$0xFFFFFFC0];
	v15 =	vadd.f32 v15, v6;
	v11 =	vadd.f32 v14, v6;
	v14 =	vmov s30  }
0x3b: {  	v27 =	vadd.s32 v0, v9;
	[tilespmem:v16+s22+$0x0] =	vst.idx.msk $0xffff, v10;
	v16 =	vmov s31;
	v10 =	vand.u32 $0x7D, v14;
	v14 =	vld [tilespmem:s24+$0x0]  }
0x3c: {  	[tilespmem:v17+s22+$0x0] =	vst.idx.msk $0xffff, v11;
	v17 =	vadd.s32 v0, v10;
	v11 =	vand.u32 $0x7E, v16;
	v16 =	vadd.f32 v18, v8;
	v18 =	vld [tilespmem:s23+$0xFFFFFFE0]  }
0x3d: {  	[tilespmem:v20+s22+$0x0] =	vst.idx.msk $0xffff, v15;
	v15 =	vadd.s32 v0, v11;
	v20 =	vld [tilespmem:s23+$0x20];
	v22 =	vadd.f32 v22, v5  }
0x3e: {  	v28 =	vadd.s32 v2, v19;
	v23 =	vadd.f32 v23, v8;
	[tilespmem:v24+s22+$0x0] =	vst.idx.msk $0xffff, v16;
	v24 =	vld [tilespmem:s23+$0xFFFFFFA0]  }
0x3f: {  	v29 =	vadd.s32 v2, v21;
	v16 =	vadd.f32 v25, v8;
	v25 =	vld [tilespmem:s24+$0x50];
	[tilespmem:v26+s22+$0x0] =	vst.idx.msk $0xffff, v22  }
0x40: {  	[tilespmem:v27+s22+$0x0] =	vst.idx.msk $0xffff, v23;
	v23 =	vadd.s32 v2, v12;
	v14 =	vadd.f32 v14, v8;
	v26 =	vld [tilespmem:s23+$0x70]  }
0x41: {  	v30 =	vadd.s32 v1, v7;
	v27 =	vld [tilespmem:s24+$0xFFFFFF90];
	[tilespmem:v17+s22+$0x0] =	vst.idx.msk $0xffff, v16;
	v17 =	vadd.f32 v18, v5  }
0x42: {  	v32 =	vadd.s32 v3, v13;
	s25 =	simm.s32 $0x1;
	v31 =	vld [tilespmem:s24+$0xFFFFFFD0];
	[tilespmem:v15+s22+$0x0] =	vst.idx.msk $0xffff, v14;
	v14 =	vadd.f32 v20, v5  }
0x43: {  	s25 =	simm.s32 @!p0 $0x0;
	v22 =	vadd.s32 v1, v9;
	v16 =	vld [tilespmem:s24+$0x10];
	[tilespmem:v28+s22+$0x0] =	vst.idx.msk $0xffff, v17;
	v13 =	vadd.f32 v24, v5  }
0x44: {  	s25 =	smul.u32 $0x8800, s25;
	s26 =	simm.s32 $0x8;
	v20 =	vadd.s32 v1, v10;
	v17 =	vld [tilespmem:s23+$0xFFFFFFF0];
	[tilespmem:v29+s22+$0x0] =	vst.idx.msk $0xffff, v14;
	v18 =	vadd.f32 v25, v6  }
0x45: {  	v24 =	vmov s26;
	v14 =	vadd.s32 v1, v11;
	v15 =	vld [tilespmem:s23+$0x30];
	[tilespmem:v23+s22+$0x0] =	vst.idx.msk $0xffff, v13;
	v63 =	vadd.f32 v26, v4  }
0x46: {  	s28 =	sshrl.u32 s25, $0x2;
	s25 =	sadd.s32 $0x100, s24;
	v19 =	vadd.s32 v3, v19;
	s29 =	simm.s32 $0xB;
	v13 =	vand.u32 $0x7C, v24;
	v24 =	vadd.f32 v27, v6;
	[tilespmem:v30+s22+$0x0] =	vst.idx.msk $0xffff, v18;
	v18 =	vld [tilespmem:s23+$0xFFFFFFB0]  }
0x47: {  	v21 =	vadd.s32 v3, v21;
	v26 =	vmov s29;
	v23 =	vld [tilespmem:s25+$0x40];
	s23 =	sadd.s32 $0x11600, s28;
	s28 =	simm.s32 $0xC;
	v25 =	vadd.f32 v31, v6;
	[tilespmem:v32+s22+$0x0] =	vst.idx.msk $0xffff, v63  }
.LBB2_3:
0x48: {  	p1 =	slt.u32 s28, $0x7C;
	s29 =	sadd.s32 $0x1, s26;
	v26 =	vand.u32 $0x7F, v26;
	[tilespmem:v22+s22+$0x0] =	vst.idx.msk $0xffff, v24;
	v16 =	vadd.f32 v16, v6;
	v22 =	vld [tilespmem:s24+$0x60];
	v24 =	vadd.s32 v3, v12  }
0x49: {  	v30 =	vmovc v11;
	v27 =	vld [tilespmem:s25+$0xFFFFFF80];
	v28 =	vmov s29;
	s29 =	sadd.s32 $0x2, s26;
	v29 =	vadd.s32 v0, v26;
	[tilespmem:v20+s22+$0x0] =	vst.idx.msk $0xffff, v25;
	v17 =	vadd.f32 v17, v4;
	s26 =	smov.u32 s28  }
0x4a: {  	v12 =	vmovc v9;
	v20 =	vld [tilespmem:s25+$0xFFFFFFC0];
	v11 =	vmov s29;
	[tilespmem:v14+s22+$0x0] =	vst.idx.msk $0xffff, v16;
	v14 =	vadd.s32 v2, v7;
	v15 =	vadd.f32 v15, v4  }
0x4b: {  	v16 =	vadd.s32 v0, v13;
	v28 =	vand.u32 $0x7D, v28;
	v25 =	vld [tilespmem:s25+$0x0];
	v31 =	vadd.f32 v18, v4;
	[tilespmem:v19+s22+$0x0] =	vst.idx.msk $0xffff, v17  }
0x4c: {  	v17 =	vadd.s32 v0, v28;
	v11 =	vand.u32 $0x7E, v11;
	v18 =	vadd.f32 v23, v8;
	v19 =	vld [tilespmem:s24+$0xFFFFFFE0];
	[tilespmem:v21+s22+$0x0] =	vst.idx.msk $0xffff, v15  }
0x4d: {  	v9 =	vmov v13;
	v15 =	vadd.s32 v0, v11;
	v21 =	vld [tilespmem:s24+$0x20];
	v22 =	vadd.f32 v22, v5;
	[tilespmem:v24+s22+$0x0] =	vst.idx.msk $0xffff, v31  }
0x4e: {  	v23 =	vadd.s32 v2, v10;
	v13 =	vadd.f32 v27, v8;
	[tilespmem:v29+s22+$0x0] =	vst.idx.msk $0xffff, v18;
	v18 =	vld [tilespmem:s24+$0xFFFFFFA0]  }
0x4f: {  	v27 =	vadd.s32 v2, v30;
	v20 =	vadd.f32 v20, v8;
	v24 =	vld [tilespmem:s25+$0x50];
	[tilespmem:v14+s22+$0x0] =	vst.idx.msk $0xffff, v22  }
0x50: {  	[tilespmem:v16+s22+$0x0] =	vst.idx.msk $0xffff, v13;
	v13 =	vadd.f32 v25, v8;
	v25 =	vadd.s32 v2, v12;
	v29 =	vld [tilespmem:s24+$0x70]  }
0x51: {  	v32 =	vadd.s32 v1, v26;
	v31 =	vld [tilespmem:s25+$0xFFFFFF90];
	[tilespmem:v17+s22+$0x0] =	vst.idx.msk $0xffff, v20;
	v14 =	vadd.f32 v19, v5  }
0x52: {  	v34 =	vadd.s32 v3, v7;
	v7 =	vmov v26;
	v33 =	vld [tilespmem:s25+$0xFFFFFFD0];
	[tilespmem:v15+s22+$0x0] =	vst.idx.msk $0xffff, v13;
	v13 =	vadd.f32 v21, v5  }
.Ltmp0:
0x53: {  	v22 =	vadd.s32 v1, v9;
	v16 =	vld [tilespmem:s25+$0x10];
	v15 =	vadd.f32 v18, v5;
	[tilespmem:v23+s22+$0x0] =	vst.idx.msk $0xffff, v14;
	(pc) =	sbr.rel @p1 .LBB2_3-.Ltmp0, $4  }
0x54: {  	v20 =	vadd.s32 v1, v28;
	v18 =	vadd.f32 v24, v6;
	v17 =	vld [tilespmem:s24+$0xFFFFFFF0];
	[tilespmem:v27+s22+$0x0] =	vst.idx.msk $0xffff, v13  }
0x55: {  	v14 =	vadd.s32 v1, v11;
	v13 =	vmov s28;
	[tilespmem:v25+s22+$0x0] =	vst.idx.msk $0xffff, v15;
	v15 =	vld [tilespmem:s24+$0x30];
	v27 =	vadd.f32 v29, v4  }
0x56: {  	s29 =	sadd.s32 $0x3, s28;
	v19 =	vadd.s32 v3, v10;
	v13 =	vand.u32 $0x7C, v13;
	v24 =	vadd.f32 v31, v6;
	[tilespmem:v32+s22+$0x0] =	vst.idx.msk $0xffff, v18;
	v18 =	vld [tilespmem:s24+$0xFFFFFFB0];
	s24 =	smov.u32 s25;
	s25 =	sadd.s32 $0x100, s25  }
0x57: {  	v26 =	vmov s29;
	v10 =	vmovc v28;
	v21 =	vadd.s32 v3, v30;
	s28 =	sadd.s32 $0x4, s28;
	v23 =	vld [tilespmem:s25+$0x40];
	v25 =	vadd.f32 v33, v6;
	[tilespmem:v34+s22+$0x0] =	vst.idx.msk $0xffff, v27  }
0x58: {  	s28 =	sadd.s32 $0x1, s26  }
0x59: {  	v26 =	vand.u32 $0x7F, v26;
	s30 =	sadd.s32 $0x2, s26;
	v28 =	vld [tilespmem:s25+$0xFFFFFFC0];
	v27 =	vmov s28  }
0x5a: {  	v31 =	vld [tilespmem:s25+$0x0];
	v29 =	vadd.s32 v0, v26;
	v30 =	vmov s30;
	v27 =	vand.u32 $0x7D, v27  }
0x5b: {  	v32 =	vld [tilespmem:s25+$0xFFFFFF80];
	v30 =	vand.u32 $0x7E, v30;
	v33 =	vadd.s32 v0, v27  }
0x5c: {  	v34 =	vadd.s32 v0, v30  }
0x5d: {  	[tilespmem:v22+s22+$0x0] =	vst.idx.msk $0xffff, v24;
	v44 =	vadd.s32 v0, v13;
	v23 =	vadd.f32 v23, v8  }
0x5e: {  	[tilespmem:v20+s22+$0x0] =	vst.idx.msk $0xffff, v25;
	v45 =	vadd.f32 v28, v8  }
0x5f: {  	v46 =	vadd.f32 v31, v8;
	[tilespmem:v29+s22+$0x0] =	vst.idx.msk $0xffff, v23  }
0x60: {  	v47 =	vadd.f32 v32, v8;
	v48 =	vld [tilespmem:s25+$0x50];
	[tilespmem:v33+s22+$0x0] =	vst.idx.msk $0xffff, v45  }
0x61: {  	v16 =	vadd.f32 v16, v6;
	v12 =	vadd.s32 v3, v12;
	[tilespmem:v34+s22+$0x0] =	vst.idx.msk $0xffff, v46;
	v20 =	vld [tilespmem:s25+$0xFFFFFFD0]  }
0x62: {  	v17 =	vadd.f32 v17, v4;
	v49 =	vadd.s32 v1, v26;
	[tilespmem:v44+s22+$0x0] =	vst.idx.msk $0xffff, v47;
	v50 =	vld [tilespmem:s25+$0x10]  }
0x63: {  	[tilespmem:v14+s22+$0x0] =	vst.idx.msk $0xffff, v16;
	v51 =	vadd.f32 v15, v4;
	v53 =	vadd.s32 v1, v27;
	v52 =	vld [tilespmem:s25+$0xFFFFFF90]  }
0x64: {  	v54 =	vld [tilespmem:s24+$0x60];
	v18 =	vadd.f32 v18, v4;
	[tilespmem:v19+s22+$0x0] =	vst.idx.msk $0xffff, v17;
	v55 =	vadd.s32 v1, v30  }
0x65: {  	v57 =	vadd.s32 v1, v13;
	v60 =	vld [tilespmem:s24+$0x20];
	[tilespmem:v21+s22+$0x0] =	vst.idx.msk $0xffff, v51;
	v58 =	vadd.f32 v48, v6  }
0x66: {  	v59 =	vadd.s32 v2, v7;
	v56 =	vld [tilespmem:s24+$0xFFFFFFE0];
	[tilespmem:v12+s22+$0x0] =	vst.idx.msk $0xffff, v18;
	v61 =	vadd.f32 v20, v6  }
0x67: {  	v62 =	vld [tilespmem:s24+$0xFFFFFFA0];
	v29 =	vadd.s32 v2, v11;
	[tilespmem:v49+s22+$0x0] =	vst.idx.msk $0xffff, v58;
	v28 =	vadd.f32 v50, v6  }
0x68: {  	v63 =	vadd.s32 v2, v10;
	v31 =	vadd.f32 v52, v6;
	v32 =	vld [tilespmem:s25+$0x60];
	[tilespmem:v53+s22+$0x0] =	vst.idx.msk $0xffff, v61  }
0x69: {  	v33 =	vadd.f32 v54, v5;
	v34 =	vadd.s32 v2, v9;
	[tilespmem:v55+s22+$0x0] =	vst.idx.msk $0xffff, v28;
	v35 =	vld [tilespmem:s25+$0xFFFFFFE0]  }
0x6a: {  	v37 =	vadd.s32 v2, v26;
	v39 =	vadd.f32 v60, v5;
	[tilespmem:v57+s22+$0x0] =	vst.idx.msk $0xffff, v31;
	v38 =	vld [tilespmem:s25+$0x20]  }
0x6b: {  	v41 =	vadd.s32 v2, v27;
	v36 =	vadd.f32 v56, v5;
	[tilespmem:v59+s22+$0x0] =	vst.idx.msk $0xffff, v33;
	v40 =	vld [tilespmem:s25+$0xFFFFFFA0]  }
0x6c: {  	v43 =	vadd.s32 v2, v30;
	v18 =	vadd.f32 v62, v5;
	v42 =	vld [tilespmem:s24+$0x70];
	[tilespmem:v29+s22+$0x0] =	vst.idx.msk $0xffff, v39  }
0x6d: {  	v45 =	vadd.s32 v2, v13;
	[tilespmem:v63+s22+$0x0] =	vst.idx.msk $0xffff, v36;
	v47 =	vld [tilespmem:s24+$0x30];
	v44 =	vadd.f32 v32, v5  }
0x6e: {  	v46 =	vadd.s32 v3, v7;
	[tilespmem:v34+s22+$0x0] =	vst.idx.msk $0xffff, v18;
	v20 =	vld [tilespmem:s24+$0xFFFFFFF0];
	v8 =	vadd.f32 v35, v5  }
0x6f: {  	v18 =	vld [tilespmem:s24+$0xFFFFFFB0];
	v50 =	vadd.s32 v3, v11;
	[tilespmem:v37+s22+$0x0] =	vst.idx.msk $0xffff, v44;
	v49 =	vadd.f32 v38, v5  }
0x70: {  	v48 =	vadd.s32 v3, v10;
	v5 =	vadd.f32 v40, v5;
	v12 =	vld [tilespmem:s25+$0x70];
	[tilespmem:v41+s22+$0x0] =	vst.idx.msk $0xffff, v8  }
0x71: {  	v52 =	vadd.s32 v3, v9;
	v51 =	vadd.f32 v42, v4;
	[tilespmem:v43+s22+$0x0] =	vst.idx.msk $0xffff, v49;
	v53 =	vld [tilespmem:s25+$0xFFFFFFF0]  }
0x72: {  	v55 =	vadd.s32 v3, v26;
	v56 =	vadd.f32 v47, v4;
	[tilespmem:v45+s22+$0x0] =	vst.idx.msk $0xffff, v5;
	v5 =	vld [tilespmem:s25+$0x30]  }
0x73: {  	v58 =	vadd.s32 v3, v27;
	[tilespmem:v46+s22+$0x0] =	vst.idx.msk $0xffff, v51;
	v54 =	vadd.f32 v20, v4;
	v57 =	vld [tilespmem:s25+$0xFFFFFFB0]  }
0x74: {  	v60 =	vadd.s32 v3, v30;
	v59 =	vadd.f32 v18, v4;
	[tilespmem:v50+s22+$0x0] =	vst.idx.msk $0xffff, v56  }
0x75: {  	v62 =	vadd.s32 v3, v13;
	[tilespmem:v48+s22+$0x0] =	vst.idx.msk $0xffff, v54;
	v61 =	vadd.f32 v12, v4  }
0x76: {  	[tilespmem:v52+s22+$0x0] =	vst.idx.msk $0xffff, v59;
	v63 =	vadd.f32 v53, v4  }
0x77: {  	[tilespmem:v55+s22+$0x0] =	vst.idx.msk $0xffff, v61;
	v5 =	vadd.f32 v5, v4  }
0x78: {  	v4 =	vadd.f32 v57, v4;
	[tilespmem:v58+s22+$0x0] =	vst.idx.msk $0xffff, v63  }
0x79: {  	s31 =	sshll.u32 s20, $0xF;
	[tilespmem:v60+s22+$0x0] =	vst.idx.msk $0xffff, v5  }
0x7a: {  	s21 =	sadd.s32 $0x5, s21;
	s26 =	sadd.s32 $0x0, s23;
	[tilespmem:v62+s22+$0x0] =	vst.idx.msk $0xffff, v4;
	s22 =	sadd.s32 s31, s6  }
0x7b: {  	[hbm4b:s22+s2] =	stream.linear.scatter [tilespmem:s26], [sflag:s21], $0x80, $0x38;
	[tilespmem:$0x15A00] =	vst v63  }
0x7c: {  	s25 =	sadd.s32 $0x88, s26;
	s29 =	sadd.s32 $0x10, s22  }
0x7d: {  	[hbm4b:s29+s2] =	stream.linear.scatter [tilespmem:s25], [sflag:s21], $0x80, $0x38;
	[tilespmem:$0x15A00] =	vst v63  }
0x7e: {  	s30 =	sadd.s32 $0x110, s26;
	s24 =	simm.s32 $0x440;
	s31 =	sadd.s32 $0x20, s22  }
0x7f: {  	[hbm4b:s31+s2] =	stream.linear.scatter [tilespmem:s30], [sflag:s21], $0x80, $0x38;
	[tilespmem:$0x15A00] =	vst v63  }
0x80: {  	s28 =	sadd.s32 $0x70, s22;
	s25 =	sadd.s32 $0x198, s26;
	s29 =	sadd.s32 $0x30, s22  }
0x81: {  	[hbm4b:s29+s2] =	stream.linear.scatter [tilespmem:s25], [sflag:s21], $0x80, $0x38;
	[tilespmem:$0x15A00] =	vst v63  }
0x82: {  	s30 =	sadd.s32 $0x220, s26;
	s31 =	sadd.s32 $0x40, s22;
	s25 =	sadd.s32 $0x2A8, s26  }
0x83: {  	[hbm4b:s31+s2] =	stream.linear.scatter [tilespmem:s30], [sflag:s21], $0x80, $0x38;
	[tilespmem:$0x15A00] =	vst v63  }
0x84: {  	s29 =	sadd.s32 $0x50, s22;
	s30 =	sadd.s32 $0x330, s26;
	s31 =	sadd.s32 $0x60, s22  }
0x85: {  	[hbm4b:s29+s2] =	stream.linear.scatter [tilespmem:s25], [sflag:s21], $0x80, $0x38;
	[tilespmem:$0x15A00] =	vst v63  }
0x86: {  	s26 =	sadd.s32 $0x3B8, s26;
	s22 =	sadd.s32 $0x1000, s22;
	s25 =	simm.s32 $0x2200  }
0x87: {  	[hbm4b:s31+s2] =	stream.linear.scatter [tilespmem:s30], [sflag:s21], $0x80, $0x38;
	[tilespmem:$0x15A00] =	vst v63  }
.LBB2_5:
0x88: {  	[hbm4b:s28+s2] =	stream.linear.scatter [tilespmem:s26], [sflag:s21], $0x80, $0x38;
	[tilespmem:$0x15A00] =	vst v63  }
0x89: {  	s26 =	smov.u32 s25  }
0x8a: {  	s29 =	sadd.s32 $0x1100, s25;
	s28 =	sadd.s32 s24, s23;
	s24 =	sshra.s32 s26, $0x2  }
0x8b: {  	[hbm4b:s22+s2] =	stream.linear.scatter [tilespmem:s28], [sflag:s21], $0x80, $0x38;
	[tilespmem:$0x15A00] =	vst v63  }
0x8c: {  	p1 =	sne.s32 s25, $0x7700;
	s25 =	sadd.s32 $0x88, s28;
	s26 =	sadd.s32 $0x10, s22  }
0x8d: {  	[hbm4b:s26+s2] =	stream.linear.scatter [tilespmem:s25], [sflag:s21], $0x80, $0x38;
	[tilespmem:$0x15A00] =	vst v63  }
0x8e: {  	s25 =	sadd.s32 $0x110, s28;
	s26 =	sadd.s32 $0x20, s22  }
0x8f: {  	[hbm4b:s26+s2] =	stream.linear.scatter [tilespmem:s25], [sflag:s21], $0x80, $0x38;
	[tilespmem:$0x15A00] =	vst v63  }
0x90: {  	s25 =	sadd.s32 $0x198, s28;
	s26 =	sadd.s32 $0x30, s22  }
0x91: {  	[hbm4b:s26+s2] =	stream.linear.scatter [tilespmem:s25], [sflag:s21], $0x80, $0x38;
	[tilespmem:$0x15A00] =	vst v63  }
0x92: {  	s25 =	sadd.s32 $0x220, s28;
	s26 =	sadd.s32 $0x40, s22  }
0x93: {  	[hbm4b:s26+s2] =	stream.linear.scatter [tilespmem:s25], [sflag:s21], $0x80, $0x38;
	[tilespmem:$0x15A00] =	vst v63  }
0x94: {  	s25 =	sadd.s32 $0x2A8, s28;
	s26 =	sadd.s32 $0x50, s22  }
0x95: {  	[hbm4b:s26+s2] =	stream.linear.scatter [tilespmem:s25], [sflag:s21], $0x80, $0x38;
	[tilespmem:$0x15A00] =	vst v63  }
.Ltmp1:
0x96: {  	_ = 	snop;
	(pc) =	sbr.rel @p1 .LBB2_5-.Ltmp1, $4  }
0x97: {  	s25 =	sadd.s32 $0x330, s28;
	s26 =	sadd.s32 $0x60, s22  }
0x98: {  	[hbm4b:s26+s2] =	stream.linear.scatter [tilespmem:s25], [sflag:s21], $0x80, $0x38;
	[tilespmem:$0x15A00] =	vst v63  }
0x99: {  	s26 =	sadd.s32 $0x3B8, s28  }
0x9a: {  	s28 =	sadd.s32 $0x70, s22;
	s22 =	sadd.s32 $0x1000, s22;
	s25 =	smov.u32 s29  }
0x9b: {  	[hbm4b:s28+s2] =	stream.linear.scatter [tilespmem:s26], [sflag:s21], $0x80, $0x38;
	[tilespmem:$0x15A00] =	vst v63  }
0x9c: {  	s23 =	sadd.s32 s24, s23  }
0x9d: {  	[hbm4b:s22+s2] =	stream.linear.scatter [tilespmem:s23], [sflag:s21], $0x80, $0x38;
	[tilespmem:$0x15A00] =	vst v63  }
0x9e: {  	s25 =	sadd.s32 $0x10, s22;
	s24 =	sadd.s32 $0x88, s23  }
0x9f: {  	[hbm4b:s25+s2] =	stream.linear.scatter [tilespmem:s24], [sflag:s21], $0x80, $0x38;
	[tilespmem:$0x15A00] =	vst v63  }
0xa0: {  	s26 =	sadd.s32 $0x20, s22;
	s25 =	sadd.s32 $0x110, s23  }
0xa1: {  	[hbm4b:s26+s2] =	stream.linear.scatter [tilespmem:s25], [sflag:s21], $0x80, $0x38;
	[tilespmem:$0x15A00] =	vst v63  }
0xa2: {  	s29 =	sadd.s32 $0x30, s22;
	s28 =	sadd.s32 $0x198, s23  }
0xa3: {  	[hbm4b:s29+s2] =	stream.linear.scatter [tilespmem:s28], [sflag:s21], $0x80, $0x38;
	[tilespmem:$0x15A00] =	vst v63  }
0xa4: {  	s31 =	sadd.s32 $0x40, s22;
	s20 =	sadd.s32 $0x1, s20;
	s30 =	sadd.s32 $0x220, s23  }
0xa5: {  	[hbm4b:s31+s2] =	stream.linear.scatter [tilespmem:s30], [sflag:s21], $0x80, $0x38;
	[tilespmem:$0x15A00] =	vst v63  }
0xa6: {  	p1 =	sne.s32 s20, $0xC8;
	s26 =	sadd.s32 $0x2A8, s23;
	s28 =	sadd.s32 $0x50, s22  }
0xa7: {  	[hbm4b:s28+s2] =	stream.linear.scatter [tilespmem:s26], [sflag:s21], $0x80, $0x38;
	[tilespmem:$0x15A00] =	vst v63  }
.Ltmp2:
0xa8: {  	_ = 	snop;
	(pc) =	sbr.rel @p1 .LBB2_2-.Ltmp2, $4  }
0xa9: {  	s19 =	sadd.s32 $0x1, s19;
	s29 =	sadd.s32 $0x330, s23;
	s30 =	sadd.s32 $0x60, s22  }
0xaa: {  	[hbm4b:s30+s2] =	stream.linear.scatter [tilespmem:s29], [sflag:s21], $0x80, $0x38;
	[tilespmem:$0x15A00] =	vst v63  }
0xab: {  	p0 =	por !p0, !p0;
	s23 =	sadd.s32 $0x3B8, s23;
	s31 =	sadd.s32 $0x70, s22  }
0xac: {  	[hbm4b:s31+s2] =	stream.linear.scatter [tilespmem:s23], [sflag:s21], $0x80, $0x38;
	[tilespmem:$0x15A00] =	vst v63  }
0xad: {  	s18 =	sadd.s32 $0x1, s18  }
0xae: {  	_ =	swait.ge [sflag:s16], $0x2000;
	p0 =	sne.s32 s18, s7  }
.Ltmp3:
0xaf: {  	[sflag:s16] =	ssyncset.done $0x0;
	(pc) =	sbr.rel @p0 .LBB2_1-.Ltmp3, $4  }
0xb0: {  	[sflag:s16] =	ssyncadd.s32 $0xFFFFE000  }
0xb1: {  	_ =	swait.ge [sflag:s17], $0x2000  }
0xb2: {  	[sflag:s17] =	ssyncset.done $0x0  }
0xb3: {  	[sflag:s17] =	ssyncadd.s32 $0xFFFFE000  }
0xb4: {  	_ =	sfence.sel $0x180000  }
0xb5: {  	[bflag:$0x0] =	sbarrier.arrive $0xFFFF  }
0xb6: {  	p0 =	sne.s32 s0, $0x0;
	_ =	strace $0x90000047  }
0xb7: {  	s0 =	sadd.s32 @!p0 $0x100000, s1;
	[bflag:$0x2] =	sbarrier.arrive $0xFFFF  }
0xb8: {  	[sflag:s0] =	ssyncadd.tile.s32 @!p0 $0x1;
	_ =	shalt  }
.Lfunc_end2:
_tile_overlayer_lowered:
.L_overlay_start_2:
0xb9: {  	(tag) =	ssettag $0x2  }
0xba: {  	s0 =	rddreg [dreg:$0x0];
	s2 =	stileid.u32  }
0xbb: {  	s1 =	rddreg [dreg:$0x1];
	p0 =	sne.s32 s2, $0x0  }
0xbc: {  	s3 =	rddreg [dreg:$0x2];
	[bflag:$0x3] =	sbarrier.arrive $0xFFFF;
	s2 =	simm.s32 @!p0 $0x1C07  }
0xbd: {  	[timem:s3], [sflag:s2] =	dma.local @!p0 [hbm:s0], s1  }
0xbe: {  	s0 =	simm.s32 @!p0 $0x7  }
0xbf: {  	_ =	swait.ge @!p0 [sflag:s0], s1  }
0xc0: {  	s1 =	ssub.s32 @!p0 $0x0, s1;
	[sflag:s0] =	ssyncset.done @!p0 $0x0  }
0xc1: {  	[sflag:s0] =	ssyncadd.s32 @!p0 s1  }
0xc2: {  	[bflag:$0x3] =	sbarrier.arrive $0xFFFF  }
0xc3: {  	_ =	shalt  }

</sc_bundles>
